<compile_context>
chip_gen: v7x
topology: tpu7x:2x2x1
jax: 0.10.2.dev20260603
libtpu: 0.0.44.dev20260713+nightly
codegen_flags: <defaults>
</compile_context>

<pallas_src>
import functools

import jax
import jax.numpy as jnp
from jax import lax
from jax.experimental import pallas as pl
from jax.experimental.pallas import tpu as pltpu
from jax.experimental.pallas import tpu_sc as plsc

D = 64
B = 16
L = 2048
N = B * L
NC = 2
NS = 16
LANES = 16
ROWS = D // NC
G = L // LANES
RPP = 8
NPASS = ROWS // RPP


def _body(p_hbm, species_hbm, out_hbm,
          species_v, rank_v, in_b0, in_b1, in_b2, in_b3, out_b0, out_b1,
          gh_v, loc_v, pre_v, run_v, sem_i0, sem_i1, sem_i2, sem_i3,
          sem_o0, sem_o1):
    c = lax.axis_index("c")
    s = lax.axis_index("s")
    r0 = c * ROWS
    col0 = s * L

    in_bufs = (in_b0, in_b1, in_b2, in_b3)
    out_bufs = (out_b0, out_b1)
    in_sems = (sem_i0, sem_i1, sem_i2, sem_i3)
    out_sems = (sem_o0, sem_o1)

    def start_in(k):
        cp = pltpu.make_async_copy(
            p_hbm.at[pl.ds(r0 + k * RPP, RPP), pl.ds(col0, L)],
            in_bufs[k], in_sems[k])
        cp.start()
        return cp

    in_pending = [start_in(k) for k in range(NPASS)]

    pltpu.sync_copy(species_hbm.at[s], species_v)

    iota = lax.iota(jnp.int32, LANES)
    zeros = jnp.zeros((LANES,), jnp.int32)

    def zero_body(g):
        gh_v[pl.ds(g * LANES, LANES)] = zeros

    plsc.parallel_loop(0, G, 1, unroll=4)(zero_body)

    def ph1(g):
        svec = species_v[pl.ds(g * LANES, LANES)]
        sc, last = plsc.scan_count(svec)
        loc_v[pl.ds(g * LANES, LANES)] = sc - 1
        tgt = jnp.where(last, g * LANES + svec, G * LANES + iota)
        plsc.store_scatter(gh_v, [tgt], sc)

    plsc.parallel_loop(0, G, 1, unroll=2)(ph1)

    def ph2(g, run):
        pre_v[pl.ds(g * LANES, LANES)] = run
        return run + gh_v[pl.ds(g * LANES, LANES)]

    total = lax.fori_loop(0, G, ph2, zeros)

    run_v[pl.ds(0, LANES)] = L - plsc.cumsum(total)

    def ph3(g):
        svec = species_v[pl.ds(g * LANES, LANES)]
        base = plsc.load_gather(pre_v, [g * LANES + svec])
        offs = plsc.load_gather(run_v, [svec])
        pos = offs + base + loc_v[pl.ds(g * LANES, LANES)]
        rank_v[pl.ds(g * LANES, LANES)] = jnp.clip(pos, 0, L - 1)

    plsc.parallel_loop(0, G, 1, unroll=2)(ph3)

    out_pending = [None, None]
    for k in range(NPASS):
        oslot = k % 2
        in_pending[k].wait()
        if out_pending[oslot] is not None:
            out_pending[oslot].wait()
        ibuf = in_bufs[k]
        obuf = out_bufs[oslot]

        def make_pass(ibuf, obuf):
            def pass_fn(g):
                pos = rank_v[pl.ds(g * LANES, LANES)]
                for r in range(RPP):
                    rvec = jnp.full((LANES,), r, jnp.int32)
                    vals = ibuf[r, pl.ds(g * LANES, LANES)]
                    plsc.store_scatter(obuf, [rvec, pos], vals)
            return pass_fn

        plsc.parallel_loop(0, G, 1, unroll=2)(make_pass(ibuf, obuf))

        cp = pltpu.make_async_copy(
            obuf,
            out_hbm.at[pl.ds(r0 + k * RPP, RPP), pl.ds(col0, L)],
            out_sems[oslot])
        cp.start()
        out_pending[oslot] = cp

    for slot in range(2):
        if out_pending[slot] is not None:
            out_pending[slot].wait()


@functools.partial(jax.jit, static_argnames=())
def _run(p, species):
    mesh = plsc.VectorSubcoreMesh(core_axis_name="c", subcore_axis_name="s",
                                  num_cores=NC, num_subcores=NS)
    f = pl.kernel(
        _body,
        out_type=jax.ShapeDtypeStruct((D, N), jnp.float32),
        mesh=mesh,
        compiler_params=pltpu.CompilerParams(
            needs_layout_passes=False, use_tc_tiling_on_sc=True),
        scratch_types=[
            pltpu.VMEM((L,), jnp.int32),
            pltpu.VMEM((L,), jnp.int32),
            pltpu.VMEM((RPP, L), jnp.float32),
            pltpu.VMEM((RPP, L), jnp.float32),
            pltpu.VMEM((RPP, L), jnp.float32),
            pltpu.VMEM((RPP, L), jnp.float32),
            pltpu.VMEM((RPP, L), jnp.float32),
            pltpu.VMEM((RPP, L), jnp.float32),
            pltpu.VMEM((G * LANES + LANES,), jnp.int32),
            pltpu.VMEM((L,), jnp.int32),
            pltpu.VMEM((G * LANES,), jnp.int32),
            pltpu.VMEM((2 * LANES,), jnp.int32),
            pltpu.SemaphoreType.DMA,
            pltpu.SemaphoreType.DMA,
            pltpu.SemaphoreType.DMA,
            pltpu.SemaphoreType.DMA,
            pltpu.SemaphoreType.DMA,
            pltpu.SemaphoreType.DMA,
        ],
    )
    return f(p, species)


def kernel(p, species, coordinates):
    del coordinates
    return _run(p, species)

# --- scband reference (transcript-rebuilt; emitter-appended) ---
"""Pipeline reference for scband-seqm-singlepoint-91096256348496 (READ-ONLY COPY).

The authoritative reference and input builder live on the scoring server;
editing this copy changes nothing except your own understanding.
"""

import jax, jax.numpy as jnp
import numpy as np


def setup_inputs(seed: int = 0) -> dict:
    key = jax.random.key(seed)
    k1, k2, k3 = jax.random.split(key, 3)
    B, L, D = 16, 2048, 64
    # species in [1, 8] -> no dummy (0) atoms, so the ragged structure is dense
    species = jax.random.randint(k1, (B, L), 1, 9, dtype=jnp.int32)
    p = jax.random.normal(k2, (D, B * L), dtype=jnp.float32)
    coordinates = jax.random.normal(k3, (B, L, 3), dtype=jnp.float32)
    return {"p": p, "species": species, "coordinates": coordinates}


def reference(p, species, coordinates):
    # Orderator / prepare_input: with no dummy atoms, Z == species (already padded-dense)
    B, L = species.shape
    # nAtoms = count_nonzero(Z, dim=1) == L for every molecule (no dummies)
    # shifts = [0, L, 2L, ...]
    shifts = (jnp.arange(B, dtype=jnp.int32) * L)[:, None]
    # per-molecule descending argsort of atomic numbers (torch argsort descending)
    subsort = jnp.argsort(-species, axis=1)
    # ragged_idx flattened into one global permutation over all atoms
    p_sorting = (subsort + shifts).reshape(-1)
    # p_sorted = p[:, p_sorting]  -- the memory-bound ragged gather
    p_sorted = jnp.take(p, p_sorting, axis=1)
    # core_runner(p_sorted, Z, xyz) is an external SEQM quantum-chemistry core;
    # the module-level computation (reordering + gather) ends here, so return p_sorted.
    return p_sorted

if __name__ == "__main__":
    import jax
    _d = setup_inputs()
    print(jax.jit(kernel)(*tuple(_d.values())))

</pallas_src>

<mosaic_0001>
#map = affine_map<(d0, d1) -> (0, 0)>
module attributes {stable_mosaic.version = 14 : i64} {
  func.func @_body(%arg0: i32, %arg1: i32, %arg2: memref<64x32768xf32, #tpu.memory_space<hbm>>, %arg3: memref<16x2048xi32, #tpu.memory_space<hbm>>, %arg4: memref<64x32768xf32, #tpu.memory_space<hbm>>, %arg5: memref<2048xi32, #tpu.memory_space<vmem>>, %arg6: memref<2048xi32, #tpu.memory_space<vmem>>, %arg7: memref<8x2048xf32, #tpu.memory_space<vmem>>, %arg8: memref<8x2048xf32, #tpu.memory_space<vmem>>, %arg9: memref<8x2048xf32, #tpu.memory_space<vmem>>, %arg10: memref<8x2048xf32, #tpu.memory_space<vmem>>, %arg11: memref<8x2048xf32, #tpu.memory_space<vmem>>, %arg12: memref<8x2048xf32, #tpu.memory_space<vmem>>, %arg13: memref<2064xi32, #tpu.memory_space<vmem>>, %arg14: memref<2048xi32, #tpu.memory_space<vmem>>, %arg15: memref<2048xi32, #tpu.memory_space<vmem>>, %arg16: memref<32xi32, #tpu.memory_space<vmem>>, %arg17: memref<!tpu.dma_semaphore, #tpu.memory_space<semaphore_mem>>, %arg18: memref<!tpu.dma_semaphore, #tpu.memory_space<semaphore_mem>>, %arg19: memref<!tpu.dma_semaphore, #tpu.memory_space<semaphore_mem>>, %arg20: memref<!tpu.dma_semaphore, #tpu.memory_space<semaphore_mem>>, %arg21: memref<!tpu.dma_semaphore, #tpu.memory_space<semaphore_mem>>, %arg22: memref<!tpu.dma_semaphore, #tpu.memory_space<semaphore_mem>>) attributes {dimension_semantics = [#tpu.dimension_semantics<core_parallel>, #tpu.dimension_semantics<subcore_parallel>], iteration_bounds = array<i64: 2, 16>, scalar_prefetch = 0 : i64, scratch_operands = 18 : i64, tpu.core_type = #tpu.core_type<sc_vector_subcore>, window_params = [{transform_indices = #map}, {transform_indices = #map}, {transform_indices = #map}]} {
    %mul3A = arith.constant 32 : i32
    %mul3A_0 = arith.muli %arg0, %mul3A : i32
    %mul3A_1 = arith.constant 2048 : i32
    %mul3A_2 = arith.muli %arg1, %mul3A_1 : i32
    %add3A = arith.constant 0 : i32
    %add3A_3 = arith.addi %mul3A_0, %add3A : i32
    %dma_start3A = tpu.memref_slice %arg2[%add3A_3, %mul3A_2] : memref<64x32768xf32, #tpu.memory_space<hbm>> -> memref<8x2048xf32, #tpu.memory_space<hbm>>
    %dma_start3A_4 = tpu.memref_slice %arg2[%add3A_3, %mul3A_2] : memref<64x32768xf32, #tpu.memory_space<hbm>> -> memref<8x2048xf32, #tpu.memory_space<hbm>>
    tpu.enqueue_dma source(%dma_start3A_4 : memref<8x2048xf32, #tpu.memory_space<hbm>>) target(%arg7 : memref<8x2048xf32, #tpu.memory_space<vmem>>) target_semaphore(%arg17 : memref<!tpu.dma_semaphore, #tpu.memory_space<semaphore_mem>>)
    %add3A_5 = arith.constant 8 : i32
    %add3A_6 = arith.addi %mul3A_0, %add3A_5 : i32
    %dma_start3A_7 = tpu.memref_slice %arg2[%add3A_6, %mul3A_2] : memref<64x32768xf32, #tpu.memory_space<hbm>> -> memref<8x2048xf32, #tpu.memory_space<hbm>>
    %dma_start3A_8 = tpu.memref_slice %arg2[%add3A_6, %mul3A_2] : memref<64x32768xf32, #tpu.memory_space<hbm>> -> memref<8x2048xf32, #tpu.memory_space<hbm>>
    tpu.enqueue_dma source(%dma_start3A_8 : memref<8x2048xf32, #tpu.memory_space<hbm>>) target(%arg8 : memref<8x2048xf32, #tpu.memory_space<vmem>>) target_semaphore(%arg18 : memref<!tpu.dma_semaphore, #tpu.memory_space<semaphore_mem>>)
    %add3A_9 = arith.constant 16 : i32
    %add3A_10 = arith.addi %mul3A_0, %add3A_9 : i32
    %dma_start3A_11 = tpu.memref_slice %arg2[%add3A_10, %mul3A_2] : memref<64x32768xf32, #tpu.memory_space<hbm>> -> memref<8x2048xf32, #tpu.memory_space<hbm>>
    %dma_start3A_12 = tpu.memref_slice %arg2[%add3A_10, %mul3A_2] : memref<64x32768xf32, #tpu.memory_space<hbm>> -> memref<8x2048xf32, #tpu.memory_space<hbm>>
    tpu.enqueue_dma source(%dma_start3A_12 : memref<8x2048xf32, #tpu.memory_space<hbm>>) target(%arg9 : memref<8x2048xf32, #tpu.memory_space<vmem>>) target_semaphore(%arg19 : memref<!tpu.dma_semaphore, #tpu.memory_space<semaphore_mem>>)
    %add3A_13 = arith.constant 24 : i32
    %add3A_14 = arith.addi %mul3A_0, %add3A_13 : i32
    %dma_start3A_15 = tpu.memref_slice %arg2[%add3A_14, %mul3A_2] : memref<64x32768xf32, #tpu.memory_space<hbm>> -> memref<8x2048xf32, #tpu.memory_space<hbm>>
    %dma_start3A_16 = tpu.memref_slice %arg2[%add3A_14, %mul3A_2] : memref<64x32768xf32, #tpu.memory_space<hbm>> -> memref<8x2048xf32, #tpu.memory_space<hbm>>
    tpu.enqueue_dma source(%dma_start3A_16 : memref<8x2048xf32, #tpu.memory_space<hbm>>) target(%arg10 : memref<8x2048xf32, #tpu.memory_space<vmem>>) target_semaphore(%arg20 : memref<!tpu.dma_semaphore, #tpu.memory_space<semaphore_mem>>)
    "tpu.region"() ({
      %run_scoped3A = tpu.sem_alloc : memref<!tpu.dma_semaphore, #tpu.memory_space<semaphore_mem>>
      %dma_start3A_79 = arith.constant 0 : i32
      %dma_start3A_80 = tpu.memref_slice %arg3[%arg1, %dma_start3A_79] : memref<16x2048xi32, #tpu.memory_space<hbm>> -> memref<1x2048xi32, #tpu.memory_space<hbm>>
      %dma_start3A_81 = tpu.memref_squeeze %dma_start3A_80 : memref<1x2048xi32, #tpu.memory_space<hbm>> -> memref<2048xi32, #tpu.memory_space<hbm>>
      %dma_start3A_82 = arith.constant 0 : i32
      %dma_start3A_83 = tpu.memref_slice %arg3[%arg1, %dma_start3A_82] : memref<16x2048xi32, #tpu.memory_space<hbm>> -> memref<1x2048xi32, #tpu.memory_space<hbm>>
      %dma_start3A_84 = tpu.memref_squeeze %dma_start3A_83 : memref<1x2048xi32, #tpu.memory_space<hbm>> -> memref<2048xi32, #tpu.memory_space<hbm>>
      tpu.enqueue_dma source(%dma_start3A_84 : memref<2048xi32, #tpu.memory_space<hbm>>) target(%arg5 : memref<2048xi32, #tpu.memory_space<vmem>>) target_semaphore(%run_scoped3A : memref<!tpu.dma_semaphore, #tpu.memory_space<semaphore_mem>>)
      %dma_wait3A_85 = arith.constant 0 : i32
      %dma_wait3A_86 = tpu.memref_slice %arg3[%arg1, %dma_wait3A_85] : memref<16x2048xi32, #tpu.memory_space<hbm>> -> memref<1x2048xi32, #tpu.memory_space<hbm>>
      %dma_wait3A_87 = tpu.memref_squeeze %dma_wait3A_86 : memref<1x2048xi32, #tpu.memory_space<hbm>> -> memref<2048xi32, #tpu.memory_space<hbm>>
      %dma_wait3A_88 = arith.constant 0 : i32
      %dma_wait3A_89 = tpu.memref_slice %arg3[%arg1, %dma_wait3A_88] : memref<16x2048xi32, #tpu.memory_space<hbm>> -> memref<1x2048xi32, #tpu.memory_space<hbm>>
      %dma_wait3A_90 = tpu.memref_squeeze %dma_wait3A_89 : memref<1x2048xi32, #tpu.memory_space<hbm>> -> memref<2048xi32, #tpu.memory_space<hbm>>
      tpu.wait_dma2 semaphore(%run_scoped3A : memref<!tpu.dma_semaphore, #tpu.memory_space<semaphore_mem>>) src(%dma_wait3A_90 : memref<2048xi32, #tpu.memory_space<hbm>>) dst(%arg5 : memref<2048xi32, #tpu.memory_space<vmem>>)
      tpu.yield
    }) : () -> ()
    %iota3A = tpu.iota {dimensions = array<i32: 0>} : vector<16xi32>
    %broadcast_in_dim3A = arith.constant 0 : i32
    %broadcast_in_dim3A_17 = vector.broadcast %broadcast_in_dim3A : i32 to vector<16xi32>
    %parallel_loop3A = arith.constant 0 : i32
    %parallel_loop3A_18 = arith.constant 128 : i32
    %parallel_loop3A_19 = arith.constant 1 : i32
    scf.for %parallel_loop3A_79 = %parallel_loop3A to %parallel_loop3A_18 step %parallel_loop3A_19  : i32 {
      %parallel_loop3A_80 = arith.constant 16 : i32
      %parallel_loop3A_81 = arith.muli %parallel_loop3A_79, %parallel_loop3A_80 : i32
      %parallel_loop3A_82 = arith.index_cast %parallel_loop3A_81 : i32 to index
      %parallel_loop3A_83 = tpu.vector_load %arg13[%parallel_loop3A_82] {strides = array<i32>} : memref<2064xi32, #tpu.memory_space<vmem>>, vector<16xi32>,
      tpu.vector_store %arg13[%parallel_loop3A_82], %broadcast_in_dim3A_17 {strides = array<i32>} : memref<2064xi32, #tpu.memory_space<vmem>>, vector<16xi32>,
    } {sc.loop_unroll_factor = 4 : i64, sc.parallel_access}
    %parallel_loop3A_20 = arith.constant 0 : i32
    %parallel_loop3A_21 = arith.constant 128 : i32
    %parallel_loop3A_22 = arith.constant 1 : i32
    scf.for %parallel_loop3A_79 = %parallel_loop3A_20 to %parallel_loop3A_21 step %parallel_loop3A_22  : i32 {
      %parallel_loop3A_80 = arith.constant 16 : i32
      %parallel_loop3A_81 = arith.muli %parallel_loop3A_79, %parallel_loop3A_80 : i32
      %parallel_loop3A_82 = arith.index_cast %parallel_loop3A_81 : i32 to index
      %parallel_loop3A_83 = tpu.vector_load %arg5[%parallel_loop3A_82] {strides = array<i32>} : memref<2048xi32, #tpu.memory_space<vmem>>, vector<16xi32>,
      %parallel_loop3A_84 = arith.constant true
      %parallel_loop3A_85 = vector.broadcast %parallel_loop3A_84 : i1 to vector<16xi1>
      %parallel_loop3A_86, %parallel_loop3A_87 = tpu.scan_count mask(%parallel_loop3A_85 : vector<16xi1>) value(%parallel_loop3A_83 : vector<16xi32>) : vector<16xi1>, vector<16xi32>
      %parallel_loop3A_88 = arith.constant 1 : i32
      %parallel_loop3A_89 = vector.broadcast %parallel_loop3A_88 : i32 to vector<16xi32>
      %parallel_loop3A_90 = arith.subi %parallel_loop3A_87, %parallel_loop3A_89 : vector<16xi32>
      %parallel_loop3A_91 = arith.constant 16 : i32
      %parallel_loop3A_92 = arith.muli %parallel_loop3A_79, %parallel_loop3A_91 : i32
      %parallel_loop3A_93 = arith.index_cast %parallel_loop3A_92 : i32 to index
      %parallel_loop3A_94 = tpu.vector_load %arg14[%parallel_loop3A_93] {strides = array<i32>} : memref<2048xi32, #tpu.memory_space<vmem>>, vector<16xi32>,
      tpu.vector_store %arg14[%parallel_loop3A_93], %parallel_loop3A_90 {strides = array<i32>} : memref<2048xi32, #tpu.memory_space<vmem>>, vector<16xi32>,
      %parallel_loop3A_95 = arith.constant 16 : i32
      %parallel_loop3A_96 = arith.muli %parallel_loop3A_79, %parallel_loop3A_95 : i32
      %parallel_loop3A_97 = vector.broadcast %parallel_loop3A_96 : i32 to vector<16xi32>
      %parallel_loop3A_98 = arith.addi %parallel_loop3A_97, %parallel_loop3A_83 : vector<16xi32>
      %parallel_loop3A_99 = arith.constant 2048 : i32
      %parallel_loop3A_100 = vector.broadcast %parallel_loop3A_99 : i32 to vector<16xi32>
      %parallel_loop3A_101 = arith.addi %parallel_loop3A_100, %iota3A : vector<16xi32>
      %parallel_loop3A_102 = arith.select %parallel_loop3A_86, %parallel_loop3A_98, %parallel_loop3A_101 : vector<16xi1>, vector<16xi32>
      tpu.vector_store_idx %arg13[%parallel_loop3A_102], %parallel_loop3A_87 : memref<2064xi32, #tpu.memory_space<vmem>>[vector<16xi32>], vector<16xi32>,
    } {sc.loop_unroll_factor = 2 : i64, sc.parallel_access}
    %scan3A = arith.constant 0 : i32
    %scan3A_23 = arith.constant 128 : i32
    %scan3A_24 = arith.addi %scan3A, %scan3A_23 : i32
    %scan3A_25 = arith.constant 1 : i32
    %scan3A_26 = scf.for %scan3A_79 = %scan3A to %scan3A_24 step %scan3A_25 iter_args(%scan3A_80 = %broadcast_in_dim3A_17) -> (vector<16xi32>)  : i32 {
      %mul3A_81 = arith.constant 16 : i32
      %mul3A_82 = arith.muli %scan3A_79, %mul3A_81 : i32
      %swap3A_83 = arith.index_cast %mul3A_82 : i32 to index
      %swap3A_84 = tpu.vector_load %arg15[%swap3A_83] {strides = array<i32>} : memref<2048xi32, #tpu.memory_space<vmem>>, vector<16xi32>,
      tpu.vector_store %arg15[%swap3A_83], %scan3A_80 {strides = array<i32>} : memref<2048xi32, #tpu.memory_space<vmem>>, vector<16xi32>,
      %mul3A_85 = arith.constant 16 : i32
      %mul3A_86 = arith.muli %scan3A_79, %mul3A_85 : i32
      %get3A = arith.index_cast %mul3A_86 : i32 to index
      %get3A_87 = tpu.vector_load %arg13[%get3A] {strides = array<i32>} : memref<2064xi32, #tpu.memory_space<vmem>>, vector<16xi32>,
      %add3A_88 = arith.addi %scan3A_80, %get3A_87 : vector<16xi32>
      scf.yield %add3A_88 : vector<16xi32>
    }
    %scan3A_27 = arith.constant 128 : i32
    %broadcast_in_dim3A_28 = arith.constant true
    %broadcast_in_dim3A_29 = vector.broadcast %broadcast_in_dim3A_28 : i1 to vector<16xi1>
    %masked_cumsum3A = tpu.scan <sum>, %scan3A_26 masked %broadcast_in_dim3A_29 : vector<16xi32>, vector<16xi1> -> vector<16xi32>
    %sub3A = arith.constant 2048 : i32
    %sub3A_30 = vector.broadcast %sub3A : i32 to vector<16xi32>
    %sub3A_31 = arith.subi %sub3A_30, %masked_cumsum3A : vector<16xi32>
    %swap3A = arith.constant 0 : index
    %swap3A_32 = tpu.vector_load %arg16[%swap3A] {strides = array<i32>} : memref<32xi32, #tpu.memory_space<vmem>>, vector<16xi32>,
    tpu.vector_store %arg16[%swap3A], %sub3A_31 {strides = array<i32>} : memref<32xi32, #tpu.memory_space<vmem>>, vector<16xi32>,
    %parallel_loop3A_33 = arith.constant 0 : i32
    %parallel_loop3A_34 = arith.constant 128 : i32
    %parallel_loop3A_35 = arith.constant 1 : i32
    scf.for %parallel_loop3A_79 = %parallel_loop3A_33 to %parallel_loop3A_34 step %parallel_loop3A_35  : i32 {
      %parallel_loop3A_80 = arith.constant 16 : i32
      %parallel_loop3A_81 = arith.muli %parallel_loop3A_79, %parallel_loop3A_80 : i32
      %parallel_loop3A_82 = arith.index_cast %parallel_loop3A_81 : i32 to index
      %parallel_loop3A_83 = tpu.vector_load %arg5[%parallel_loop3A_82] {strides = array<i32>} : memref<2048xi32, #tpu.memory_space<vmem>>, vector<16xi32>,
      %parallel_loop3A_84 = arith.constant 16 : i32
      %parallel_loop3A_85 = arith.muli %parallel_loop3A_79, %parallel_loop3A_84 : i32
      %parallel_loop3A_86 = vector.broadcast %parallel_loop3A_85 : i32 to vector<16xi32>
      %parallel_loop3A_87 = arith.addi %parallel_loop3A_86, %parallel_loop3A_83 : vector<16xi32>
      %parallel_loop3A_88 = tpu.vector_load_idx %arg15[%parallel_loop3A_87] : memref<2048xi32, #tpu.memory_space<vmem>>[vector<16xi32>], vector<16xi32>,
      %parallel_loop3A_89 = tpu.vector_load_idx %arg16[%parallel_loop3A_83] : memref<32xi32, #tpu.memory_space<vmem>>[vector<16xi32>], vector<16xi32>,
      %parallel_loop3A_90 = arith.addi %parallel_loop3A_89, %parallel_loop3A_88 : vector<16xi32>
      %parallel_loop3A_91 = arith.constant 16 : i32
      %parallel_loop3A_92 = arith.muli %parallel_loop3A_79, %parallel_loop3A_91 : i32
      %parallel_loop3A_93 = arith.index_cast %parallel_loop3A_92 : i32 to index
      %parallel_loop3A_94 = tpu.vector_load %arg14[%parallel_loop3A_93] {strides = array<i32>} : memref<2048xi32, #tpu.memory_space<vmem>>, vector<16xi32>,
      %parallel_loop3A_95 = arith.addi %parallel_loop3A_90, %parallel_loop3A_94 : vector<16xi32>
      %parallel_loop3A_96 = arith.constant 0 : i32
      %parallel_loop3A_97 = arith.constant 2047 : i32
      %parallel_loop3A_98 = vector.broadcast %parallel_loop3A_96 : i32 to vector<16xi32>
      %parallel_loop3A_99 = arith.maxsi %parallel_loop3A_98, %parallel_loop3A_95 : vector<16xi32>
      %parallel_loop3A_100 = vector.broadcast %parallel_loop3A_97 : i32 to vector<16xi32>
      %parallel_loop3A_101 = arith.minsi %parallel_loop3A_100, %parallel_loop3A_99 : vector<16xi32>
      %parallel_loop3A_102 = arith.constant 16 : i32
      %parallel_loop3A_103 = arith.muli %parallel_loop3A_79, %parallel_loop3A_102 : i32
      %parallel_loop3A_104 = arith.index_cast %parallel_loop3A_103 : i32 to index
      %parallel_loop3A_105 = tpu.vector_load %arg6[%parallel_loop3A_104] {strides = array<i32>} : memref<2048xi32, #tpu.memory_space<vmem>>, vector<16xi32>,
      tpu.vector_store %arg6[%parallel_loop3A_104], %parallel_loop3A_101 {strides = array<i32>} : memref<2048xi32, #tpu.memory_space<vmem>>, vector<16xi32>,
    } {sc.loop_unroll_factor = 2 : i64, sc.parallel_access}
    %dma_wait3A = tpu.memref_slice %arg2[%add3A_3, %mul3A_2] : memref<64x32768xf32, #tpu.memory_space<hbm>> -> memref<8x2048xf32, #tpu.memory_space<hbm>>
    %dma_wait3A_36 = tpu.memref_slice %arg2[%add3A_3, %mul3A_2] : memref<64x32768xf32, #tpu.memory_space<hbm>> -> memref<8x2048xf32, #tpu.memory_space<hbm>>
    tpu.wait_dma2 semaphore(%arg17 : memref<!tpu.dma_semaphore, #tpu.memory_space<semaphore_mem>>) src(%dma_wait3A_36 : memref<8x2048xf32, #tpu.memory_space<hbm>>) dst(%arg7 : memref<8x2048xf32, #tpu.memory_space<vmem>>)
    %parallel_loop3A_37 = arith.constant 0 : i32
    %parallel_loop3A_38 = arith.constant 128 : i32
    %parallel_loop3A_39 = arith.constant 1 : i32
    scf.for %parallel_loop3A_79 = %parallel_loop3A_37 to %parallel_loop3A_38 step %parallel_loop3A_39  : i32 {
      %parallel_loop3A_80 = arith.constant 16 : i32
      %parallel_loop3A_81 = arith.muli %parallel_loop3A_79, %parallel_loop3A_80 : i32
      %parallel_loop3A_82 = arith.index_cast %parallel_loop3A_81 : i32 to index
      %parallel_loop3A_83 = tpu.vector_load %arg6[%parallel_loop3A_82] {strides = array<i32>} : memref<2048xi32, #tpu.memory_space<vmem>>, vector<16xi32>,
      %parallel_loop3A_84 = arith.constant 0 : i32
      %parallel_loop3A_85 = vector.broadcast %parallel_loop3A_84 : i32 to vector<16xi32>
      %parallel_loop3A_86 = arith.constant 16 : i32
      %parallel_loop3A_87 = arith.muli %parallel_loop3A_79, %parallel_loop3A_86 : i32
      %parallel_loop3A_88 = arith.constant 0 : i32
      %parallel_loop3A_89 = arith.index_cast %parallel_loop3A_88 : i32 to index
      %parallel_loop3A_90 = arith.index_cast %parallel_loop3A_87 : i32 to index
      %parallel_loop3A_91 = tpu.vector_load %arg7[%parallel_loop3A_89, %parallel_loop3A_90] {strides = array<i32>} : memref<8x2048xf32, #tpu.memory_space<vmem>>, vector<16xf32>,
      tpu.vector_store_idx %arg11[%parallel_loop3A_85, %parallel_loop3A_83], %parallel_loop3A_91 : memref<8x2048xf32, #tpu.memory_space<vmem>>[vector<16xi32>, vector<16xi32>], vector<16xf32>,
      %parallel_loop3A_92 = arith.constant 1 : i32
      %parallel_loop3A_93 = vector.broadcast %parallel_loop3A_92 : i32 to vector<16xi32>
      %parallel_loop3A_94 = arith.constant 16 : i32
      %parallel_loop3A_95 = arith.muli %parallel_loop3A_79, %parallel_loop3A_94 : i32
      %parallel_loop3A_96 = arith.constant 1 : i32
      %parallel_loop3A_97 = arith.index_cast %parallel_loop3A_96 : i32 to index
      %parallel_loop3A_98 = arith.index_cast %parallel_loop3A_95 : i32 to index
      %parallel_loop3A_99 = tpu.vector_load %arg7[%parallel_loop3A_97, %parallel_loop3A_98] {strides = array<i32>} : memref<8x2048xf32, #tpu.memory_space<vmem>>, vector<16xf32>,
      tpu.vector_store_idx %arg11[%parallel_loop3A_93, %parallel_loop3A_83], %parallel_loop3A_99 : memref<8x2048xf32, #tpu.memory_space<vmem>>[vector<16xi32>, vector<16xi32>], vector<16xf32>,
      %parallel_loop3A_100 = arith.constant 2 : i32
      %parallel_loop3A_101 = vector.broadcast %parallel_loop3A_100 : i32 to vector<16xi32>
      %parallel_loop3A_102 = arith.constant 16 : i32
      %parallel_loop3A_103 = arith.muli %parallel_loop3A_79, %parallel_loop3A_102 : i32
      %parallel_loop3A_104 = arith.constant 2 : i32
      %parallel_loop3A_105 = arith.index_cast %parallel_loop3A_104 : i32 to index
      %parallel_loop3A_106 = arith.index_cast %parallel_loop3A_103 : i32 to index
      %parallel_loop3A_107 = tpu.vector_load %arg7[%parallel_loop3A_105, %parallel_loop3A_106] {strides = array<i32>} : memref<8x2048xf32, #tpu.memory_space<vmem>>, vector<16xf32>,
      tpu.vector_store_idx %arg11[%parallel_loop3A_101, %parallel_loop3A_83], %parallel_loop3A_107 : memref<8x2048xf32, #tpu.memory_space<vmem>>[vector<16xi32>, vector<16xi32>], vector<16xf32>,
      %parallel_loop3A_108 = arith.constant 3 : i32
      %parallel_loop3A_109 = vector.broadcast %parallel_loop3A_108 : i32 to vector<16xi32>
      %parallel_loop3A_110 = arith.constant 16 : i32
      %parallel_loop3A_111 = arith.muli %parallel_loop3A_79, %parallel_loop3A_110 : i32
      %parallel_loop3A_112 = arith.constant 3 : i32
      %parallel_loop3A_113 = arith.index_cast %parallel_loop3A_112 : i32 to index
      %parallel_loop3A_114 = arith.index_cast %parallel_loop3A_111 : i32 to index
      %parallel_loop3A_115 = tpu.vector_load %arg7[%parallel_loop3A_113, %parallel_loop3A_114] {strides = array<i32>} : memref<8x2048xf32, #tpu.memory_space<vmem>>, vector<16xf32>,
      tpu.vector_store_idx %arg11[%parallel_loop3A_109, %parallel_loop3A_83], %parallel_loop3A_115 : memref<8x2048xf32, #tpu.memory_space<vmem>>[vector<16xi32>, vector<16xi32>], vector<16xf32>,
      %parallel_loop3A_116 = arith.constant 4 : i32
      %parallel_loop3A_117 = vector.broadcast %parallel_loop3A_116 : i32 to vector<16xi32>
      %parallel_loop3A_118 = arith.constant 16 : i32
      %parallel_loop3A_119 = arith.muli %parallel_loop3A_79, %parallel_loop3A_118 : i32
      %parallel_loop3A_120 = arith.constant 4 : i32
      %parallel_loop3A_121 = arith.index_cast %parallel_loop3A_120 : i32 to index
      %parallel_loop3A_122 = arith.index_cast %parallel_loop3A_119 : i32 to index
      %parallel_loop3A_123 = tpu.vector_load %arg7[%parallel_loop3A_121, %parallel_loop3A_122] {strides = array<i32>} : memref<8x2048xf32, #tpu.memory_space<vmem>>, vector<16xf32>,
      tpu.vector_store_idx %arg11[%parallel_loop3A_117, %parallel_loop3A_83], %parallel_loop3A_123 : memref<8x2048xf32, #tpu.memory_space<vmem>>[vector<16xi32>, vector<16xi32>], vector<16xf32>,
      %parallel_loop3A_124 = arith.constant 5 : i32
      %parallel_loop3A_125 = vector.broadcast %parallel_loop3A_124 : i32 to vector<16xi32>
      %parallel_loop3A_126 = arith.constant 16 : i32
      %parallel_loop3A_127 = arith.muli %parallel_loop3A_79, %parallel_loop3A_126 : i32
      %parallel_loop3A_128 = arith.constant 5 : i32
      %parallel_loop3A_129 = arith.index_cast %parallel_loop3A_128 : i32 to index
      %parallel_loop3A_130 = arith.index_cast %parallel_loop3A_127 : i32 to index
      %parallel_loop3A_131 = tpu.vector_load %arg7[%parallel_loop3A_129, %parallel_loop3A_130] {strides = array<i32>} : memref<8x2048xf32, #tpu.memory_space<vmem>>, vector<16xf32>,
      tpu.vector_store_idx %arg11[%parallel_loop3A_125, %parallel_loop3A_83], %parallel_loop3A_131 : memref<8x2048xf32, #tpu.memory_space<vmem>>[vector<16xi32>, vector<16xi32>], vector<16xf32>,
      %parallel_loop3A_132 = arith.constant 6 : i32
      %parallel_loop3A_133 = vector.broadcast %parallel_loop3A_132 : i32 to vector<16xi32>
      %parallel_loop3A_134 = arith.constant 16 : i32
      %parallel_loop3A_135 = arith.muli %parallel_loop3A_79, %parallel_loop3A_134 : i32
      %parallel_loop3A_136 = arith.constant 6 : i32
      %parallel_loop3A_137 = arith.index_cast %parallel_loop3A_136 : i32 to index
      %parallel_loop3A_138 = arith.index_cast %parallel_loop3A_135 : i32 to index
      %parallel_loop3A_139 = tpu.vector_load %arg7[%parallel_loop3A_137, %parallel_loop3A_138] {strides = array<i32>} : memref<8x2048xf32, #tpu.memory_space<vmem>>, vector<16xf32>,
      tpu.vector_store_idx %arg11[%parallel_loop3A_133, %parallel_loop3A_83], %parallel_loop3A_139 : memref<8x2048xf32, #tpu.memory_space<vmem>>[vector<16xi32>, vector<16xi32>], vector<16xf32>,
      %parallel_loop3A_140 = arith.constant 7 : i32
      %parallel_loop3A_141 = vector.broadcast %parallel_loop3A_140 : i32 to vector<16xi32>
      %parallel_loop3A_142 = arith.constant 16 : i32
      %parallel_loop3A_143 = arith.muli %parallel_loop3A_79, %parallel_loop3A_142 : i32
      %parallel_loop3A_144 = arith.constant 7 : i32
      %parallel_loop3A_145 = arith.index_cast %parallel_loop3A_144 : i32 to index
      %parallel_loop3A_146 = arith.index_cast %parallel_loop3A_143 : i32 to index
      %parallel_loop3A_147 = tpu.vector_load %arg7[%parallel_loop3A_145, %parallel_loop3A_146] {strides = array<i32>} : memref<8x2048xf32, #tpu.memory_space<vmem>>, vector<16xf32>,
      tpu.vector_store_idx %arg11[%parallel_loop3A_141, %parallel_loop3A_83], %parallel_loop3A_147 : memref<8x2048xf32, #tpu.memory_space<vmem>>[vector<16xi32>, vector<16xi32>], vector<16xf32>,
    } {sc.loop_unroll_factor = 2 : i64, sc.parallel_access}
    %add3A_40 = arith.constant 0 : i32
    %add3A_41 = arith.addi %mul3A_0, %add3A_40 : i32
    %dma_start3A_42 = tpu.memref_slice %arg4[%add3A_41, %mul3A_2] : memref<64x32768xf32, #tpu.memory_space<hbm>> -> memref<8x2048xf32, #tpu.memory_space<hbm>>
    %dma_start3A_43 = tpu.memref_slice %arg4[%add3A_41, %mul3A_2] : memref<64x32768xf32, #tpu.memory_space<hbm>> -> memref<8x2048xf32, #tpu.memory_space<hbm>>
    tpu.enqueue_dma source(%arg11 : memref<8x2048xf32, #tpu.memory_space<vmem>>) target(%dma_start3A_43 : memref<8x2048xf32, #tpu.memory_space<hbm>>) target_semaphore(%arg21 : memref<!tpu.dma_semaphore, #tpu.memory_space<semaphore_mem>>)
    %dma_wait3A_44 = tpu.memref_slice %arg2[%add3A_6, %mul3A_2] : memref<64x32768xf32, #tpu.memory_space<hbm>> -> memref<8x2048xf32, #tpu.memory_space<hbm>>
    %dma_wait3A_45 = tpu.memref_slice %arg2[%add3A_6, %mul3A_2] : memref<64x32768xf32, #tpu.memory_space<hbm>> -> memref<8x2048xf32, #tpu.memory_space<hbm>>
    tpu.wait_dma2 semaphore(%arg18 : memref<!tpu.dma_semaphore, #tpu.memory_space<semaphore_mem>>) src(%dma_wait3A_45 : memref<8x2048xf32, #tpu.memory_space<hbm>>) dst(%arg8 : memref<8x2048xf32, #tpu.memory_space<vmem>>)
    %parallel_loop3A_46 = arith.constant 0 : i32
    %parallel_loop3A_47 = arith.constant 128 : i32
    %parallel_loop3A_48 = arith.constant 1 : i32
    scf.for %parallel_loop3A_79 = %parallel_loop3A_46 to %parallel_loop3A_47 step %parallel_loop3A_48  : i32 {
      %parallel_loop3A_80 = arith.constant 16 : i32
      %parallel_loop3A_81 = arith.muli %parallel_loop3A_79, %parallel_loop3A_80 : i32
      %parallel_loop3A_82 = arith.index_cast %parallel_loop3A_81 : i32 to index
      %parallel_loop3A_83 = tpu.vector_load %arg6[%parallel_loop3A_82] {strides = array<i32>} : memref<2048xi32, #tpu.memory_space<vmem>>, vector<16xi32>,
      %parallel_loop3A_84 = arith.constant 0 : i32
      %parallel_loop3A_85 = vector.broadcast %parallel_loop3A_84 : i32 to vector<16xi32>
      %parallel_loop3A_86 = arith.constant 16 : i32
      %parallel_loop3A_87 = arith.muli %parallel_loop3A_79, %parallel_loop3A_86 : i32
      %parallel_loop3A_88 = arith.constant 0 : i32
      %parallel_loop3A_89 = arith.index_cast %parallel_loop3A_88 : i32 to index
      %parallel_loop3A_90 = arith.index_cast %parallel_loop3A_87 : i32 to index
      %parallel_loop3A_91 = tpu.vector_load %arg8[%parallel_loop3A_89, %parallel_loop3A_90] {strides = array<i32>} : memref<8x2048xf32, #tpu.memory_space<vmem>>, vector<16xf32>,
      tpu.vector_store_idx %arg12[%parallel_loop3A_85, %parallel_loop3A_83], %parallel_loop3A_91 : memref<8x2048xf32, #tpu.memory_space<vmem>>[vector<16xi32>, vector<16xi32>], vector<16xf32>,
      %parallel_loop3A_92 = arith.constant 1 : i32
      %parallel_loop3A_93 = vector.broadcast %parallel_loop3A_92 : i32 to vector<16xi32>
      %parallel_loop3A_94 = arith.constant 16 : i32
      %parallel_loop3A_95 = arith.muli %parallel_loop3A_79, %parallel_loop3A_94 : i32
      %parallel_loop3A_96 = arith.constant 1 : i32
      %parallel_loop3A_97 = arith.index_cast %parallel_loop3A_96 : i32 to index
      %parallel_loop3A_98 = arith.index_cast %parallel_loop3A_95 : i32 to index
      %parallel_loop3A_99 = tpu.vector_load %arg8[%parallel_loop3A_97, %parallel_loop3A_98] {strides = array<i32>} : memref<8x2048xf32, #tpu.memory_space<vmem>>, vector<16xf32>,
      tpu.vector_store_idx %arg12[%parallel_loop3A_93, %parallel_loop3A_83], %parallel_loop3A_99 : memref<8x2048xf32, #tpu.memory_space<vmem>>[vector<16xi32>, vector<16xi32>], vector<16xf32>,
      %parallel_loop3A_100 = arith.constant 2 : i32
      %parallel_loop3A_101 = vector.broadcast %parallel_loop3A_100 : i32 to vector<16xi32>
      %parallel_loop3A_102 = arith.constant 16 : i32
      %parallel_loop3A_103 = arith.muli %parallel_loop3A_79, %parallel_loop3A_102 : i32
      %parallel_loop3A_104 = arith.constant 2 : i32
      %parallel_loop3A_105 = arith.index_cast %parallel_loop3A_104 : i32 to index
      %parallel_loop3A_106 = arith.index_cast %parallel_loop3A_103 : i32 to index
      %parallel_loop3A_107 = tpu.vector_load %arg8[%parallel_loop3A_105, %parallel_loop3A_106] {strides = array<i32>} : memref<8x2048xf32, #tpu.memory_space<vmem>>, vector<16xf32>,
      tpu.vector_store_idx %arg12[%parallel_loop3A_101, %parallel_loop3A_83], %parallel_loop3A_107 : memref<8x2048xf32, #tpu.memory_space<vmem>>[vector<16xi32>, vector<16xi32>], vector<16xf32>,
      %parallel_loop3A_108 = arith.constant 3 : i32
      %parallel_loop3A_109 = vector.broadcast %parallel_loop3A_108 : i32 to vector<16xi32>
      %parallel_loop3A_110 = arith.constant 16 : i32
      %parallel_loop3A_111 = arith.muli %parallel_loop3A_79, %parallel_loop3A_110 : i32
      %parallel_loop3A_112 = arith.constant 3 : i32
      %parallel_loop3A_113 = arith.index_cast %parallel_loop3A_112 : i32 to index
      %parallel_loop3A_114 = arith.index_cast %parallel_loop3A_111 : i32 to index
      %parallel_loop3A_115 = tpu.vector_load %arg8[%parallel_loop3A_113, %parallel_loop3A_114] {strides = array<i32>} : memref<8x2048xf32, #tpu.memory_space<vmem>>, vector<16xf32>,
      tpu.vector_store_idx %arg12[%parallel_loop3A_109, %parallel_loop3A_83], %parallel_loop3A_115 : memref<8x2048xf32, #tpu.memory_space<vmem>>[vector<16xi32>, vector<16xi32>], vector<16xf32>,
      %parallel_loop3A_116 = arith.constant 4 : i32
      %parallel_loop3A_117 = vector.broadcast %parallel_loop3A_116 : i32 to vector<16xi32>
      %parallel_loop3A_118 = arith.constant 16 : i32
      %parallel_loop3A_119 = arith.muli %parallel_loop3A_79, %parallel_loop3A_118 : i32
      %parallel_loop3A_120 = arith.constant 4 : i32
      %parallel_loop3A_121 = arith.index_cast %parallel_loop3A_120 : i32 to index
      %parallel_loop3A_122 = arith.index_cast %parallel_loop3A_119 : i32 to index
      %parallel_loop3A_123 = tpu.vector_load %arg8[%parallel_loop3A_121, %parallel_loop3A_122] {strides = array<i32>} : memref<8x2048xf32, #tpu.memory_space<vmem>>, vector<16xf32>,
      tpu.vector_store_idx %arg12[%parallel_loop3A_117, %parallel_loop3A_83], %parallel_loop3A_123 : memref<8x2048xf32, #tpu.memory_space<vmem>>[vector<16xi32>, vector<16xi32>], vector<16xf32>,
      %parallel_loop3A_124 = arith.constant 5 : i32
      %parallel_loop3A_125 = vector.broadcast %parallel_loop3A_124 : i32 to vector<16xi32>
      %parallel_loop3A_126 = arith.constant 16 : i32
      %parallel_loop3A_127 = arith.muli %parallel_loop3A_79, %parallel_loop3A_126 : i32
      %parallel_loop3A_128 = arith.constant 5 : i32
      %parallel_loop3A_129 = arith.index_cast %parallel_loop3A_128 : i32 to index
      %parallel_loop3A_130 = arith.index_cast %parallel_loop3A_127 : i32 to index
      %parallel_loop3A_131 = tpu.vector_load %arg8[%parallel_loop3A_129, %parallel_loop3A_130] {strides = array<i32>} : memref<8x2048xf32, #tpu.memory_space<vmem>>, vector<16xf32>,
      tpu.vector_store_idx %arg12[%parallel_loop3A_125, %parallel_loop3A_83], %parallel_loop3A_131 : memref<8x2048xf32, #tpu.memory_space<vmem>>[vector<16xi32>, vector<16xi32>], vector<16xf32>,
      %parallel_loop3A_132 = arith.constant 6 : i32
      %parallel_loop3A_133 = vector.broadcast %parallel_loop3A_132 : i32 to vector<16xi32>
      %parallel_loop3A_134 = arith.constant 16 : i32
      %parallel_loop3A_135 = arith.muli %parallel_loop3A_79, %parallel_loop3A_134 : i32
      %parallel_loop3A_136 = arith.constant 6 : i32
      %parallel_loop3A_137 = arith.index_cast %parallel_loop3A_136 : i32 to index
      %parallel_loop3A_138 = arith.index_cast %parallel_loop3A_135 : i32 to index
      %parallel_loop3A_139 = tpu.vector_load %arg8[%parallel_loop3A_137, %parallel_loop3A_138] {strides = array<i32>} : memref<8x2048xf32, #tpu.memory_space<vmem>>, vector<16xf32>,
      tpu.vector_store_idx %arg12[%parallel_loop3A_133, %parallel_loop3A_83], %parallel_loop3A_139 : memref<8x2048xf32, #tpu.memory_space<vmem>>[vector<16xi32>, vector<16xi32>], vector<16xf32>,
      %parallel_loop3A_140 = arith.constant 7 : i32
      %parallel_loop3A_141 = vector.broadcast %parallel_loop3A_140 : i32 to vector<16xi32>
      %parallel_loop3A_142 = arith.constant 16 : i32
      %parallel_loop3A_143 = arith.muli %parallel_loop3A_79, %parallel_loop3A_142 : i32
      %parallel_loop3A_144 = arith.constant 7 : i32
      %parallel_loop3A_145 = arith.index_cast %parallel_loop3A_144 : i32 to index
      %parallel_loop3A_146 = arith.index_cast %parallel_loop3A_143 : i32 to index
      %parallel_loop3A_147 = tpu.vector_load %arg8[%parallel_loop3A_145, %parallel_loop3A_146] {strides = array<i32>} : memref<8x2048xf32, #tpu.memory_space<vmem>>, vector<16xf32>,
      tpu.vector_store_idx %arg12[%parallel_loop3A_141, %parallel_loop3A_83], %parallel_loop3A_147 : memref<8x2048xf32, #tpu.memory_space<vmem>>[vector<16xi32>, vector<16xi32>], vector<16xf32>,
    } {sc.loop_unroll_factor = 2 : i64, sc.parallel_access}
    %add3A_49 = arith.constant 8 : i32
    %add3A_50 = arith.addi %mul3A_0, %add3A_49 : i32
    %dma_start3A_51 = tpu.memref_slice %arg4[%add3A_50, %mul3A_2] : memref<64x32768xf32, #tpu.memory_space<hbm>> -> memref<8x2048xf32, #tpu.memory_space<hbm>>
    %dma_start3A_52 = tpu.memref_slice %arg4[%add3A_50, %mul3A_2] : memref<64x32768xf32, #tpu.memory_space<hbm>> -> memref<8x2048xf32, #tpu.memory_space<hbm>>
    tpu.enqueue_dma source(%arg12 : memref<8x2048xf32, #tpu.memory_space<vmem>>) target(%dma_start3A_52 : memref<8x2048xf32, #tpu.memory_space<hbm>>) target_semaphore(%arg22 : memref<!tpu.dma_semaphore, #tpu.memory_space<semaphore_mem>>)
    %dma_wait3A_53 = tpu.memref_slice %arg2[%add3A_10, %mul3A_2] : memref<64x32768xf32, #tpu.memory_space<hbm>> -> memref<8x2048xf32, #tpu.memory_space<hbm>>
    %dma_wait3A_54 = tpu.memref_slice %arg2[%add3A_10, %mul3A_2] : memref<64x32768xf32, #tpu.memory_space<hbm>> -> memref<8x2048xf32, #tpu.memory_space<hbm>>
    tpu.wait_dma2 semaphore(%arg19 : memref<!tpu.dma_semaphore, #tpu.memory_space<semaphore_mem>>) src(%dma_wait3A_54 : memref<8x2048xf32, #tpu.memory_space<hbm>>) dst(%arg9 : memref<8x2048xf32, #tpu.memory_space<vmem>>)
    %dma_wait3A_55 = tpu.memref_slice %arg4[%add3A_41, %mul3A_2] : memref<64x32768xf32, #tpu.memory_space<hbm>> -> memref<8x2048xf32, #tpu.memory_space<hbm>>
    %dma_wait3A_56 = tpu.memref_slice %arg4[%add3A_41, %mul3A_2] : memref<64x32768xf32, #tpu.memory_space<hbm>> -> memref<8x2048xf32, #tpu.memory_space<hbm>>
    tpu.wait_dma2 semaphore(%arg21 : memref<!tpu.dma_semaphore, #tpu.memory_space<semaphore_mem>>) src(%arg11 : memref<8x2048xf32, #tpu.memory_space<vmem>>) dst(%dma_wait3A_56 : memref<8x2048xf32, #tpu.memory_space<hbm>>)
    %parallel_loop3A_57 = arith.constant 0 : i32
    %parallel_loop3A_58 = arith.constant 128 : i32
    %parallel_loop3A_59 = arith.constant 1 : i32
    scf.for %parallel_loop3A_79 = %parallel_loop3A_57 to %parallel_loop3A_58 step %parallel_loop3A_59  : i32 {
      %parallel_loop3A_80 = arith.constant 16 : i32
      %parallel_loop3A_81 = arith.muli %parallel_loop3A_79, %parallel_loop3A_80 : i32
      %parallel_loop3A_82 = arith.index_cast %parallel_loop3A_81 : i32 to index
      %parallel_loop3A_83 = tpu.vector_load %arg6[%parallel_loop3A_82] {strides = array<i32>} : memref<2048xi32, #tpu.memory_space<vmem>>, vector<16xi32>,
      %parallel_loop3A_84 = arith.constant 0 : i32
      %parallel_loop3A_85 = vector.broadcast %parallel_loop3A_84 : i32 to vector<16xi32>
      %parallel_loop3A_86 = arith.constant 16 : i32
      %parallel_loop3A_87 = arith.muli %parallel_loop3A_79, %parallel_loop3A_86 : i32
      %parallel_loop3A_88 = arith.constant 0 : i32
      %parallel_loop3A_89 = arith.index_cast %parallel_loop3A_88 : i32 to index
      %parallel_loop3A_90 = arith.index_cast %parallel_loop3A_87 : i32 to index
      %parallel_loop3A_91 = tpu.vector_load %arg9[%parallel_loop3A_89, %parallel_loop3A_90] {strides = array<i32>} : memref<8x2048xf32, #tpu.memory_space<vmem>>, vector<16xf32>,
      tpu.vector_store_idx %arg11[%parallel_loop3A_85, %parallel_loop3A_83], %parallel_loop3A_91 : memref<8x2048xf32, #tpu.memory_space<vmem>>[vector<16xi32>, vector<16xi32>], vector<16xf32>,
      %parallel_loop3A_92 = arith.constant 1 : i32
      %parallel_loop3A_93 = vector.broadcast %parallel_loop3A_92 : i32 to vector<16xi32>
      %parallel_loop3A_94 = arith.constant 16 : i32
      %parallel_loop3A_95 = arith.muli %parallel_loop3A_79, %parallel_loop3A_94 : i32
      %parallel_loop3A_96 = arith.constant 1 : i32
      %parallel_loop3A_97 = arith.index_cast %parallel_loop3A_96 : i32 to index
      %parallel_loop3A_98 = arith.index_cast %parallel_loop3A_95 : i32 to index
      %parallel_loop3A_99 = tpu.vector_load %arg9[%parallel_loop3A_97, %parallel_loop3A_98] {strides = array<i32>} : memref<8x2048xf32, #tpu.memory_space<vmem>>, vector<16xf32>,
      tpu.vector_store_idx %arg11[%parallel_loop3A_93, %parallel_loop3A_83], %parallel_loop3A_99 : memref<8x2048xf32, #tpu.memory_space<vmem>>[vector<16xi32>, vector<16xi32>], vector<16xf32>,
      %parallel_loop3A_100 = arith.constant 2 : i32
      %parallel_loop3A_101 = vector.broadcast %parallel_loop3A_100 : i32 to vector<16xi32>
      %parallel_loop3A_102 = arith.constant 16 : i32
      %parallel_loop3A_103 = arith.muli %parallel_loop3A_79, %parallel_loop3A_102 : i32
      %parallel_loop3A_104 = arith.constant 2 : i32
      %parallel_loop3A_105 = arith.index_cast %parallel_loop3A_104 : i32 to index
      %parallel_loop3A_106 = arith.index_cast %parallel_loop3A_103 : i32 to index
      %parallel_loop3A_107 = tpu.vector_load %arg9[%parallel_loop3A_105, %parallel_loop3A_106] {strides = array<i32>} : memref<8x2048xf32, #tpu.memory_space<vmem>>, vector<16xf32>,
      tpu.vector_store_idx %arg11[%parallel_loop3A_101, %parallel_loop3A_83], %parallel_loop3A_107 : memref<8x2048xf32, #tpu.memory_space<vmem>>[vector<16xi32>, vector<16xi32>], vector<16xf32>,
      %parallel_loop3A_108 = arith.constant 3 : i32
      %parallel_loop3A_109 = vector.broadcast %parallel_loop3A_108 : i32 to vector<16xi32>
      %parallel_loop3A_110 = arith.constant 16 : i32
      %parallel_loop3A_111 = arith.muli %parallel_loop3A_79, %parallel_loop3A_110 : i32
      %parallel_loop3A_112 = arith.constant 3 : i32
      %parallel_loop3A_113 = arith.index_cast %parallel_loop3A_112 : i32 to index
      %parallel_loop3A_114 = arith.index_cast %parallel_loop3A_111 : i32 to index
      %parallel_loop3A_115 = tpu.vector_load %arg9[%parallel_loop3A_113, %parallel_loop3A_114] {strides = array<i32>} : memref<8x2048xf32, #tpu.memory_space<vmem>>, vector<16xf32>,
      tpu.vector_store_idx %arg11[%parallel_loop3A_109, %parallel_loop3A_83], %parallel_loop3A_115 : memref<8x2048xf32, #tpu.memory_space<vmem>>[vector<16xi32>, vector<16xi32>], vector<16xf32>,
      %parallel_loop3A_116 = arith.constant 4 : i32
      %parallel_loop3A_117 = vector.broadcast %parallel_loop3A_116 : i32 to vector<16xi32>
      %parallel_loop3A_118 = arith.constant 16 : i32
      %parallel_loop3A_119 = arith.muli %parallel_loop3A_79, %parallel_loop3A_118 : i32
      %parallel_loop3A_120 = arith.constant 4 : i32
      %parallel_loop3A_121 = arith.index_cast %parallel_loop3A_120 : i32 to index
      %parallel_loop3A_122 = arith.index_cast %parallel_loop3A_119 : i32 to index
      %parallel_loop3A_123 = tpu.vector_load %arg9[%parallel_loop3A_121, %parallel_loop3A_122] {strides = array<i32>} : memref<8x2048xf32, #tpu.memory_space<vmem>>, vector<16xf32>,
      tpu.vector_store_idx %arg11[%parallel_loop3A_117, %parallel_loop3A_83], %parallel_loop3A_123 : memref<8x2048xf32, #tpu.memory_space<vmem>>[vector<16xi32>, vector<16xi32>], vector<16xf32>,
      %parallel_loop3A_124 = arith.constant 5 : i32
      %parallel_loop3A_125 = vector.broadcast %parallel_loop3A_124 : i32 to vector<16xi32>
      %parallel_loop3A_126 = arith.constant 16 : i32
      %parallel_loop3A_127 = arith.muli %parallel_loop3A_79, %parallel_loop3A_126 : i32
      %parallel_loop3A_128 = arith.constant 5 : i32
      %parallel_loop3A_129 = arith.index_cast %parallel_loop3A_128 : i32 to index
      %parallel_loop3A_130 = arith.index_cast %parallel_loop3A_127 : i32 to index
      %parallel_loop3A_131 = tpu.vector_load %arg9[%parallel_loop3A_129, %parallel_loop3A_130] {strides = array<i32>} : memref<8x2048xf32, #tpu.memory_space<vmem>>, vector<16xf32>,
      tpu.vector_store_idx %arg11[%parallel_loop3A_125, %parallel_loop3A_83], %parallel_loop3A_131 : memref<8x2048xf32, #tpu.memory_space<vmem>>[vector<16xi32>, vector<16xi32>], vector<16xf32>,
      %parallel_loop3A_132 = arith.constant 6 : i32
      %parallel_loop3A_133 = vector.broadcast %parallel_loop3A_132 : i32 to vector<16xi32>
      %parallel_loop3A_134 = arith.constant 16 : i32
      %parallel_loop3A_135 = arith.muli %parallel_loop3A_79, %parallel_loop3A_134 : i32
      %parallel_loop3A_136 = arith.constant 6 : i32
      %parallel_loop3A_137 = arith.index_cast %parallel_loop3A_136 : i32 to index
      %parallel_loop3A_138 = arith.index_cast %parallel_loop3A_135 : i32 to index
      %parallel_loop3A_139 = tpu.vector_load %arg9[%parallel_loop3A_137, %parallel_loop3A_138] {strides = array<i32>} : memref<8x2048xf32, #tpu.memory_space<vmem>>, vector<16xf32>,
      tpu.vector_store_idx %arg11[%parallel_loop3A_133, %parallel_loop3A_83], %parallel_loop3A_139 : memref<8x2048xf32, #tpu.memory_space<vmem>>[vector<16xi32>, vector<16xi32>], vector<16xf32>,
      %parallel_loop3A_140 = arith.constant 7 : i32
      %parallel_loop3A_141 = vector.broadcast %parallel_loop3A_140 : i32 to vector<16xi32>
      %parallel_loop3A_142 = arith.constant 16 : i32
      %parallel_loop3A_143 = arith.muli %parallel_loop3A_79, %parallel_loop3A_142 : i32
      %parallel_loop3A_144 = arith.constant 7 : i32
      %parallel_loop3A_145 = arith.index_cast %parallel_loop3A_144 : i32 to index
      %parallel_loop3A_146 = arith.index_cast %parallel_loop3A_143 : i32 to index
      %parallel_loop3A_147 = tpu.vector_load %arg9[%parallel_loop3A_145, %parallel_loop3A_146] {strides = array<i32>} : memref<8x2048xf32, #tpu.memory_space<vmem>>, vector<16xf32>,
      tpu.vector_store_idx %arg11[%parallel_loop3A_141, %parallel_loop3A_83], %parallel_loop3A_147 : memref<8x2048xf32, #tpu.memory_space<vmem>>[vector<16xi32>, vector<16xi32>], vector<16xf32>,
    } {sc.loop_unroll_factor = 2 : i64, sc.parallel_access}
    %add3A_60 = arith.constant 16 : i32
    %add3A_61 = arith.addi %mul3A_0, %add3A_60 : i32
    %dma_start3A_62 = tpu.memref_slice %arg4[%add3A_61, %mul3A_2] : memref<64x32768xf32, #tpu.memory_space<hbm>> -> memref<8x2048xf32, #tpu.memory_space<hbm>>
    %dma_start3A_63 = tpu.memref_slice %arg4[%add3A_61, %mul3A_2] : memref<64x32768xf32, #tpu.memory_space<hbm>> -> memref<8x2048xf32, #tpu.memory_space<hbm>>
    tpu.enqueue_dma source(%arg11 : memref<8x2048xf32, #tpu.memory_space<vmem>>) target(%dma_start3A_63 : memref<8x2048xf32, #tpu.memory_space<hbm>>) target_semaphore(%arg21 : memref<!tpu.dma_semaphore, #tpu.memory_space<semaphore_mem>>)
    %dma_wait3A_64 = tpu.memref_slice %arg2[%add3A_14, %mul3A_2] : memref<64x32768xf32, #tpu.memory_space<hbm>> -> memref<8x2048xf32, #tpu.memory_space<hbm>>
    %dma_wait3A_65 = tpu.memref_slice %arg2[%add3A_14, %mul3A_2] : memref<64x32768xf32, #tpu.memory_space<hbm>> -> memref<8x2048xf32, #tpu.memory_space<hbm>>
    tpu.wait_dma2 semaphore(%arg20 : memref<!tpu.dma_semaphore, #tpu.memory_space<semaphore_mem>>) src(%dma_wait3A_65 : memref<8x2048xf32, #tpu.memory_space<hbm>>) dst(%arg10 : memref<8x2048xf32, #tpu.memory_space<vmem>>)
    %dma_wait3A_66 = tpu.memref_slice %arg4[%add3A_50, %mul3A_2] : memref<64x32768xf32, #tpu.memory_space<hbm>> -> memref<8x2048xf32, #tpu.memory_space<hbm>>
    %dma_wait3A_67 = tpu.memref_slice %arg4[%add3A_50, %mul3A_2] : memref<64x32768xf32, #tpu.memory_space<hbm>> -> memref<8x2048xf32, #tpu.memory_space<hbm>>
    tpu.wait_dma2 semaphore(%arg22 : memref<!tpu.dma_semaphore, #tpu.memory_space<semaphore_mem>>) src(%arg12 : memref<8x2048xf32, #tpu.memory_space<vmem>>) dst(%dma_wait3A_67 : memref<8x2048xf32, #tpu.memory_space<hbm>>)
    %parallel_loop3A_68 = arith.constant 0 : i32
    %parallel_loop3A_69 = arith.constant 128 : i32
    %parallel_loop3A_70 = arith.constant 1 : i32
    scf.for %parallel_loop3A_79 = %parallel_loop3A_68 to %parallel_loop3A_69 step %parallel_loop3A_70  : i32 {
      %parallel_loop3A_80 = arith.constant 16 : i32
      %parallel_loop3A_81 = arith.muli %parallel_loop3A_79, %parallel_loop3A_80 : i32
      %parallel_loop3A_82 = arith.index_cast %parallel_loop3A_81 : i32 to index
      %parallel_loop3A_83 = tpu.vector_load %arg6[%parallel_loop3A_82] {strides = array<i32>} : memref<2048xi32, #tpu.memory_space<vmem>>, vector<16xi32>,
      %parallel_loop3A_84 = arith.constant 0 : i32
      %parallel_loop3A_85 = vector.broadcast %parallel_loop3A_84 : i32 to vector<16xi32>
      %parallel_loop3A_86 = arith.constant 16 : i32
      %parallel_loop3A_87 = arith.muli %parallel_loop3A_79, %parallel_loop3A_86 : i32
      %parallel_loop3A_88 = arith.constant 0 : i32
      %parallel_loop3A_89 = arith.index_cast %parallel_loop3A_88 : i32 to index
      %parallel_loop3A_90 = arith.index_cast %parallel_loop3A_87 : i32 to index
      %parallel_loop3A_91 = tpu.vector_load %arg10[%parallel_loop3A_89, %parallel_loop3A_90] {strides = array<i32>} : memref<8x2048xf32, #tpu.memory_space<vmem>>, vector<16xf32>,
      tpu.vector_store_idx %arg12[%parallel_loop3A_85, %parallel_loop3A_83], %parallel_loop3A_91 : memref<8x2048xf32, #tpu.memory_space<vmem>>[vector<16xi32>, vector<16xi32>], vector<16xf32>,
      %parallel_loop3A_92 = arith.constant 1 : i32
      %parallel_loop3A_93 = vector.broadcast %parallel_loop3A_92 : i32 to vector<16xi32>
      %parallel_loop3A_94 = arith.constant 16 : i32
      %parallel_loop3A_95 = arith.muli %parallel_loop3A_79, %parallel_loop3A_94 : i32
      %parallel_loop3A_96 = arith.constant 1 : i32
      %parallel_loop3A_97 = arith.index_cast %parallel_loop3A_96 : i32 to index
      %parallel_loop3A_98 = arith.index_cast %parallel_loop3A_95 : i32 to index
      %parallel_loop3A_99 = tpu.vector_load %arg10[%parallel_loop3A_97, %parallel_loop3A_98] {strides = array<i32>} : memref<8x2048xf32, #tpu.memory_space<vmem>>, vector<16xf32>,
      tpu.vector_store_idx %arg12[%parallel_loop3A_93, %parallel_loop3A_83], %parallel_loop3A_99 : memref<8x2048xf32, #tpu.memory_space<vmem>>[vector<16xi32>, vector<16xi32>], vector<16xf32>,
      %parallel_loop3A_100 = arith.constant 2 : i32
      %parallel_loop3A_101 = vector.broadcast %parallel_loop3A_100 : i32 to vector<16xi32>
      %parallel_loop3A_102 = arith.constant 16 : i32
      %parallel_loop3A_103 = arith.muli %parallel_loop3A_79, %parallel_loop3A_102 : i32
      %parallel_loop3A_104 = arith.constant 2 : i32
      %parallel_loop3A_105 = arith.index_cast %parallel_loop3A_104 : i32 to index
      %parallel_loop3A_106 = arith.index_cast %parallel_loop3A_103 : i32 to index
      %parallel_loop3A_107 = tpu.vector_load %arg10[%parallel_loop3A_105, %parallel_loop3A_106] {strides = array<i32>} : memref<8x2048xf32, #tpu.memory_space<vmem>>, vector<16xf32>,
      tpu.vector_store_idx %arg12[%parallel_loop3A_101, %parallel_loop3A_83], %parallel_loop3A_107 : memref<8x2048xf32, #tpu.memory_space<vmem>>[vector<16xi32>, vector<16xi32>], vector<16xf32>,
      %parallel_loop3A_108 = arith.constant 3 : i32
      %parallel_loop3A_109 = vector.broadcast %parallel_loop3A_108 : i32 to vector<16xi32>
      %parallel_loop3A_110 = arith.constant 16 : i32
      %parallel_loop3A_111 = arith.muli %parallel_loop3A_79, %parallel_loop3A_110 : i32
      %parallel_loop3A_112 = arith.constant 3 : i32
      %parallel_loop3A_113 = arith.index_cast %parallel_loop3A_112 : i32 to index
      %parallel_loop3A_114 = arith.index_cast %parallel_loop3A_111 : i32 to index
      %parallel_loop3A_115 = tpu.vector_load %arg10[%parallel_loop3A_113, %parallel_loop3A_114] {strides = array<i32>} : memref<8x2048xf32, #tpu.memory_space<vmem>>, vector<16xf32>,
      tpu.vector_store_idx %arg12[%parallel_loop3A_109, %parallel_loop3A_83], %parallel_loop3A_115 : memref<8x2048xf32, #tpu.memory_space<vmem>>[vector<16xi32>, vector<16xi32>], vector<16xf32>,
      %parallel_loop3A_116 = arith.constant 4 : i32
      %parallel_loop3A_117 = vector.broadcast %parallel_loop3A_116 : i32 to vector<16xi32>
      %parallel_loop3A_118 = arith.constant 16 : i32
      %parallel_loop3A_119 = arith.muli %parallel_loop3A_79, %parallel_loop3A_118 : i32
      %parallel_loop3A_120 = arith.constant 4 : i32
      %parallel_loop3A_121 = arith.index_cast %parallel_loop3A_120 : i32 to index
      %parallel_loop3A_122 = arith.index_cast %parallel_loop3A_119 : i32 to index
      %parallel_loop3A_123 = tpu.vector_load %arg10[%parallel_loop3A_121, %parallel_loop3A_122] {strides = array<i32>} : memref<8x2048xf32, #tpu.memory_space<vmem>>, vector<16xf32>,
      tpu.vector_store_idx %arg12[%parallel_loop3A_117, %parallel_loop3A_83], %parallel_loop3A_123 : memref<8x2048xf32, #tpu.memory_space<vmem>>[vector<16xi32>, vector<16xi32>], vector<16xf32>,
      %parallel_loop3A_124 = arith.constant 5 : i32
      %parallel_loop3A_125 = vector.broadcast %parallel_loop3A_124 : i32 to vector<16xi32>
      %parallel_loop3A_126 = arith.constant 16 : i32
      %parallel_loop3A_127 = arith.muli %parallel_loop3A_79, %parallel_loop3A_126 : i32
      %parallel_loop3A_128 = arith.constant 5 : i32
      %parallel_loop3A_129 = arith.index_cast %parallel_loop3A_128 : i32 to index
      %parallel_loop3A_130 = arith.index_cast %parallel_loop3A_127 : i32 to index
      %parallel_loop3A_131 = tpu.vector_load %arg10[%parallel_loop3A_129, %parallel_loop3A_130] {strides = array<i32>} : memref<8x2048xf32, #tpu.memory_space<vmem>>, vector<16xf32>,
      tpu.vector_store_idx %arg12[%parallel_loop3A_125, %parallel_loop3A_83], %parallel_loop3A_131 : memref<8x2048xf32, #tpu.memory_space<vmem>>[vector<16xi32>, vector<16xi32>], vector<16xf32>,
      %parallel_loop3A_132 = arith.constant 6 : i32
      %parallel_loop3A_133 = vector.broadcast %parallel_loop3A_132 : i32 to vector<16xi32>
      %parallel_loop3A_134 = arith.constant 16 : i32
      %parallel_loop3A_135 = arith.muli %parallel_loop3A_79, %parallel_loop3A_134 : i32
      %parallel_loop3A_136 = arith.constant 6 : i32
      %parallel_loop3A_137 = arith.index_cast %parallel_loop3A_136 : i32 to index
      %parallel_loop3A_138 = arith.index_cast %parallel_loop3A_135 : i32 to index
      %parallel_loop3A_139 = tpu.vector_load %arg10[%parallel_loop3A_137, %parallel_loop3A_138] {strides = array<i32>} : memref<8x2048xf32, #tpu.memory_space<vmem>>, vector<16xf32>,
      tpu.vector_store_idx %arg12[%parallel_loop3A_133, %parallel_loop3A_83], %parallel_loop3A_139 : memref<8x2048xf32, #tpu.memory_space<vmem>>[vector<16xi32>, vector<16xi32>], vector<16xf32>,
      %parallel_loop3A_140 = arith.constant 7 : i32
      %parallel_loop3A_141 = vector.broadcast %parallel_loop3A_140 : i32 to vector<16xi32>
      %parallel_loop3A_142 = arith.constant 16 : i32
      %parallel_loop3A_143 = arith.muli %parallel_loop3A_79, %parallel_loop3A_142 : i32
      %parallel_loop3A_144 = arith.constant 7 : i32
      %parallel_loop3A_145 = arith.index_cast %parallel_loop3A_144 : i32 to index
      %parallel_loop3A_146 = arith.index_cast %parallel_loop3A_143 : i32 to index
      %parallel_loop3A_147 = tpu.vector_load %arg10[%parallel_loop3A_145, %parallel_loop3A_146] {strides = array<i32>} : memref<8x2048xf32, #tpu.memory_space<vmem>>, vector<16xf32>,
      tpu.vector_store_idx %arg12[%parallel_loop3A_141, %parallel_loop3A_83], %parallel_loop3A_147 : memref<8x2048xf32, #tpu.memory_space<vmem>>[vector<16xi32>, vector<16xi32>], vector<16xf32>,
    } {sc.loop_unroll_factor = 2 : i64, sc.parallel_access}
    %add3A_71 = arith.constant 24 : i32
    %add3A_72 = arith.addi %mul3A_0, %add3A_71 : i32
    %dma_start3A_73 = tpu.memref_slice %arg4[%add3A_72, %mul3A_2] : memref<64x32768xf32, #tpu.memory_space<hbm>> -> memref<8x2048xf32, #tpu.memory_space<hbm>>
    %dma_start3A_74 = tpu.memref_slice %arg4[%add3A_72, %mul3A_2] : memref<64x32768xf32, #tpu.memory_space<hbm>> -> memref<8x2048xf32, #tpu.memory_space<hbm>>
    tpu.enqueue_dma source(%arg12 : memref<8x2048xf32, #tpu.memory_space<vmem>>) target(%dma_start3A_74 : memref<8x2048xf32, #tpu.memory_space<hbm>>) target_semaphore(%arg22 : memref<!tpu.dma_semaphore, #tpu.memory_space<semaphore_mem>>)
    %dma_wait3A_75 = tpu.memref_slice %arg4[%add3A_61, %mul3A_2] : memref<64x32768xf32, #tpu.memory_space<hbm>> -> memref<8x2048xf32, #tpu.memory_space<hbm>>
    %dma_wait3A_76 = tpu.memref_slice %arg4[%add3A_61, %mul3A_2] : memref<64x32768xf32, #tpu.memory_space<hbm>> -> memref<8x2048xf32, #tpu.memory_space<hbm>>
    tpu.wait_dma2 semaphore(%arg21 : memref<!tpu.dma_semaphore, #tpu.memory_space<semaphore_mem>>) src(%arg11 : memref<8x2048xf32, #tpu.memory_space<vmem>>) dst(%dma_wait3A_76 : memref<8x2048xf32, #tpu.memory_space<hbm>>)
    %dma_wait3A_77 = tpu.memref_slice %arg4[%add3A_72, %mul3A_2] : memref<64x32768xf32, #tpu.memory_space<hbm>> -> memref<8x2048xf32, #tpu.memory_space<hbm>>
    %dma_wait3A_78 = tpu.memref_slice %arg4[%add3A_72, %mul3A_2] : memref<64x32768xf32, #tpu.memory_space<hbm>> -> memref<8x2048xf32, #tpu.memory_space<hbm>>
    tpu.wait_dma2 semaphore(%arg22 : memref<!tpu.dma_semaphore, #tpu.memory_space<semaphore_mem>>) src(%arg12 : memref<8x2048xf32, #tpu.memory_space<vmem>>) dst(%dma_wait3A_78 : memref<8x2048xf32, #tpu.memory_space<hbm>>)
    return
  }
}

</mosaic_0001>

<sc_bundles>
// kernel: _run.3.cloned.1.call-start
scs
__scs_entry_jumppad:
0x0: {  	(pc) =	sbr.rel $0x88, $3  }
0x1: {  	(tag) =	ssettag $0x0;
	lr =	simm.s32 $0x1  }
0x2: {  	[smem:$0x3F9F] =	sst lr;
	_ =	strace $0xD0000000  }
0x3: {  	_ = 	snop  }
0x4: {  	_ = 	snop  }
0x5: {  	_ = 	snop  }
0x6: {  	_ = 	snop  }
0x7: {  	_ = 	snop  }
__scs_overlays_trampoline_lowered:
0x8: {  	[smem:$0x3FAE] =	sst s0  }
0x9: {  	[smem:$0x3FAF] =	sst s1  }
0xa: {  	[smem:$0x3FB0] =	sst s2  }
0xb: {  	[smem:$0x3FB1] =	sst s3  }
0xc: {  	[smem:$0x3FB2] =	sst s4  }
0xd: {  	[smem:$0x3FB3] =	sst s5  }
0xe: {  	[smem:$0x3FB4] =	sst s6  }
0xf: {  	[smem:$0x3FB5] =	sst s7  }
0x10: {  	[smem:$0x3FB6] =	sst s8  }
0x11: {  	[smem:$0x3FB7] =	sst s9;
	s0 =	simm.s32 @!p0 $0x0  }
0x12: {  	s1 =	sld [smem:$0x3F9D];
	s0 =	simm.s32 @p0 $0x1  }
0x13: {  	[smem:$0x3FB8] =	sst s0;
	s0 =	simm.s32 @!p1 $0x0  }
0x14: {  	s2 =	sld [smem:$0x3F9C];
	s0 =	simm.s32 @p1 $0x1  }
0x15: {  	[smem:$0x3FB9] =	sst s0;
	s0 =	simm.s32 @!p2 $0x0  }
0x16: {  	s3 =	sld [smem:$0x3FDB];
	s0 =	simm.s32 @p2 $0x1  }
0x17: {  	s4 =	simm.s32 $0x1BF5;
	[smem:$0x3FBB] =	sst s0  }
0x18: {  	s0 =	sld [smem:$0x3F9E];
	_ =	swait.ge [sflag:s4], $0x0  }
0x19: {  	s7 =	sld [smem:$0x3F9F]  }
0x1a: {  	s8 =	sadd.s32 $0xFFFFE003, lr  }
0x1b: {  	s9 =	sadd.s32 $0xFFFFFEF7, lr;
	s5 =	simm.s32 $0xFFFFFFFF;
	p2 =	slt.u32 s8, $0xFFFFF086  }
0x1c: {  	p1 =	slt.u32 s9, $0xF7A;
	s5 =	simm.s32 @!p2 $0x0  }
0x1d: {  	s5 =	simm.s32 @p1 $0x1;
	p0 =	seq.s32 s7, s2  }
0x1e: {  	s7 =	smul.u32 @!p0 $0xF7A, s2;
	p2 =	seq.s32 @!p0 s5, $0x0  }
0x1f: {  	s9 =	smul.u32 $0xF7A, s1;
	s8 =	simm.s32 @!p0 $0x1BF5;
	p2 =	por !p2, p0  }
0x20: {  	[sflag:s8] =	ssyncset.s32 @!p0 $0xFFFFF086;
	s6 =	sadd.s32 @!p0 s3, s7;
	s7 =	simm.s32 @!p0 $0x108  }
0x21: {  	s3 =	sadd.s32 s3, s9;
	s6 =	sadd.s32 @!p0 $0x88, s6;
	s7 =	simm.s32 @p2 $0x1082  }
0x22: {  	[simem:s7], [sflag:s8] =	dma.local @!p0 [hbm:s6], $0xF7A  }
0x23: {  	s9 =	sor.u32 $0xD0000000, s2;
	s6 =	simm.s32 $0x108;
	_ =	swait.ge @!p0 [sflag:s8], $0x0  }
0x24: {  	s3 =	sadd.s32 $0x88, s3;
	s6 =	simm.s32 @!p1 $0x1082;
	[sflag:s4] =	ssyncset.s32 $0xFFFFF086  }
0x25: {  	[simem:s6], [sflag:s4] =	dma.local [hbm:s3], $0xF7A  }
0x26: {  	[smem:$0x3F9F] =	sst s1;
	(tag) =	ssettag s2;
	_ =	strace s9  }
0x27: {  	s1 =	sld [smem:$0x3FAF]  }
0x28: {  	s2 =	sld [smem:$0x3FB0]  }
0x29: {  	s4 =	sld [smem:$0x3FB2]  }
0x2a: {  	p0 =	seq.s32 s5, $0x0;
	s5 =	sld [smem:$0x3FB3]  }
0x2b: {  	s6 =	sld [smem:$0x3FB4]  }
0x2c: {  	s7 =	sld [smem:$0x3FB5]  }
0x2d: {  	s3 =	simm.s32 $0x108;
	s8 =	sld [smem:$0x3FB6]  }
0x2e: {  	s3 =	simm.s32 @!p0 $0x1082;
	s9 =	sld [smem:$0x3FB7]  }
0x2f: {  	lr =	sadd.s32 s0, s3;
	s0 =	sld [smem:$0x3FAE]  }
0x30: {  	s3 =	sld [smem:$0x3FB1]  }
0x31: {  	[smem:$0x3FBA] =	sst s10  }
0x32: {  	s10 =	sld [smem:$0x3FB8];
	_ =	sdelay $0x3  }
0x33: {  	p0 =	seq.s32 s10, $0x1;
	s10 =	sld [smem:$0x3FBA];
	_ =	sdelay $0x3  }
0x34: {  	[smem:$0x3FBA] =	sst s10  }
0x35: {  	s10 =	sld [smem:$0x3FB9];
	_ =	sdelay $0x3  }
0x36: {  	p1 =	seq.s32 s10, $0x1;
	s10 =	sld [smem:$0x3FBA];
	_ =	sdelay $0x3  }
0x37: {  	[smem:$0x3FBA] =	sst s10  }
0x38: {  	s10 =	sld [smem:$0x3FBB]  }
0x39: {  	_ = 	snop;
	(pc) =	sbr.ind lr, $3  }
0x3a: {  	_ = 	snop  }
0x3b: {  	_ = 	snop  }
0x3c: {  	p2 =	seq.s32 s10, $0x1;
	s10 =	sld [smem:$0x3FBA]  }
0x3d: {  	_ =	shalt  }
0x3e: {  	_ =	shalt  }
0x3f: {  	_ =	shalt  }
0x40: {  	_ =	shalt  }
0x41: {  	_ =	shalt  }
0x42: {  	_ =	shalt  }
0x43: {  	_ =	shalt  }
0x44: {  	_ =	shalt  }
0x45: {  	_ =	shalt  }
0x46: {  	_ =	shalt  }
0x47: {  	_ =	shalt  }
0x48: {  	_ =	shalt  }
0x49: {  	_ =	shalt  }
0x4a: {  	_ =	shalt  }
0x4b: {  	_ =	shalt  }
0x4c: {  	_ =	shalt  }
0x4d: {  	_ =	shalt  }
0x4e: {  	_ =	shalt  }
0x4f: {  	_ =	shalt  }
0x50: {  	_ =	shalt  }
0x51: {  	_ =	shalt  }
0x52: {  	_ =	shalt  }
0x53: {  	_ =	shalt  }
0x54: {  	_ =	shalt  }
0x55: {  	_ =	shalt  }
0x56: {  	_ =	shalt  }
0x57: {  	_ =	shalt  }
0x58: {  	_ =	shalt  }
0x59: {  	_ =	shalt  }
0x5a: {  	_ =	shalt  }
0x5b: {  	_ =	shalt  }
0x5c: {  	_ =	shalt  }
0x5d: {  	_ =	shalt  }
0x5e: {  	_ =	shalt  }
0x5f: {  	_ =	shalt  }
0x60: {  	_ =	shalt  }
0x61: {  	_ =	shalt  }
0x62: {  	_ =	shalt  }
0x63: {  	_ =	shalt  }
0x64: {  	_ =	shalt  }
0x65: {  	_ =	shalt  }
0x66: {  	_ =	shalt  }
0x67: {  	_ =	shalt  }
0x68: {  	_ =	shalt  }
0x69: {  	_ =	shalt  }
0x6a: {  	_ =	shalt  }
0x6b: {  	_ =	shalt  }
0x6c: {  	_ =	shalt  }
0x6d: {  	_ =	shalt  }
0x6e: {  	_ =	shalt  }
0x6f: {  	_ =	shalt  }
0x70: {  	_ =	shalt  }
0x71: {  	_ =	shalt  }
0x72: {  	_ =	shalt  }
0x73: {  	_ =	shalt  }
0x74: {  	_ =	shalt  }
0x75: {  	_ =	shalt  }
0x76: {  	_ =	shalt  }
0x77: {  	_ =	shalt  }
0x78: {  	_ =	shalt  }
0x79: {  	_ =	shalt  }
0x7a: {  	_ =	shalt  }
0x7b: {  	_ =	shalt  }
0x7c: {  	_ =	shalt  }
0x7d: {  	_ =	shalt  }
0x7e: {  	_ =	shalt  }
0x7f: {  	_ =	shalt  }
0x80: {  	_ =	shalt  }
0x81: {  	_ =	shalt  }
0x82: {  	_ =	shalt  }
0x83: {  	_ =	shalt  }
0x84: {  	_ =	shalt  }
0x85: {  	_ =	shalt  }
0x86: {  	_ =	shalt  }
0x87: {  	_ =	shalt  }
.Lfunc_end0:
.L_simem_size_0:
called_computation_lowered:
.L_overlay_start_0:
0x88: {  	s2 =	sld [smem:$0x3FD9]  }
0x89: {  	s3 =	sld [smem:$0x3FFE];
	_ =	sdelay $0x1  }
0x8a: {  	s1 =	srdreg.scid  }
0x8b: {  	s0 =	sand.u32 $0x1, s1  }
0x8c: {  	s18 =	sshll.u32 s0, $0xA;
	s2 =	sadd.s32 s3, s2  }
0x8d: {  	s2 =	sadd.s32 s2, s18  }
0x8e: {  	[smem:$0x3FC6] =	sst s2  }
0x8f: {  	_ = 	snop  }
0x90: {  	s2 =	sld [smem:$0x3FC9]  }
0x91: {  	s19 =	sld [smem:$0x3FC8]  }
0x92: {  	s4 =	sld [smem:$0x3FD0];
	(tm) =	ssettm $0x1  }
0x93: {  	s5 =	sld [smem:$0x3FFB];
	_ =	sdelay $0x3  }
0x94: {  	_ =	strace s5  }
0x95: {  	s5 =	sld [smem:$0x3FFC];
	_ =	sdelay $0x3  }
0x96: {  	_ =	strace s5  }
0x97: {  	s5 =	sld [smem:$0x3FFD];
	_ =	sdelay $0x3  }
0x98: {  	_ =	strace s5  }
0x99: {  	_ =	strace $0x8FFFFFFF  }
0x9a: {  	s20 =	sld [smem:$0x3FDB];
	_ =	sdelay $0x1  }
0x9b: {  	s6 =	simm.s32 $_scs_section_size  }
0x9c: {  	s7 =	simm.s32 $_size__tile_overlayer_lowered;
	s8 =	simm.s32 $_tile_overlayer_lowered  }
0x9d: {  	s23 =	simm.s32 $0x1BFF;
	s22 =	sshll.u32 s8, $0x1;
	s5 =	sadd.s32 s6, s20  }
0x9e: {  	s9 =	simm.s32 $0x0;
	s21 =	sshll.u32 s7, $0x1;
	s7 =	sadd.s32 s22, s5  }
0x9f: {  	[timem:s9], [sflag:s23] =	dma.local [hbm:s7], s21  }
0xa0: {  	_ =	swait.ge [sflag:s23], s21  }
0xa1: {  	s6 =	ssub.s32 $0x0, s21;
	[sflag:s23] =	ssyncset.done $0x0  }
0xa2: {  	[sflag:s23] =	ssyncadd.s32 s6;
	_ =	sdelay $0x1  }
0xa3: {  	s24 =	simm.s32 $0x1B8B  }
0xa4: {  	_ =	swait.ge [sflag:s24], $0x1  }
0xa5: {  	[sflag:s24] =	ssyncset.done $0x0  }
0xa6: {  	s25 =	simm.s32 $0x1B8E;
	[sflag:s24] =	ssyncadd.s32 $0xFFFFFFFF  }
0xa7: {  	s26 =	simm.s32 $execute0_lowered;
	[smem:$0x3FD2] =	sst s25  }
0xa8: {  	s6 =	sshll.u32 s26, $0x1;
	_ =	strace $0x80000046;
	[dreg:$0x1] =	wrdreg $0xFFFFFFFF  }
0xa9: {  	s28 =	simm.s32 $_size_execute0_lowered;
	s5 =	sadd.s32 s5, s6;
	[dreg:$0x0] =	wrdreg $0x0  }
0xaa: {  	s6 =	sshll.u32 s28, $0x1;
	[dreg:$0x2] =	wrdreg s5  }
0xab: {  	[dreg:$0x3] =	wrdreg s6  }
0xac: {  	[dreg:$0x4] =	wrdreg $0xC0  }
0xad: {  	_ =	task [dreg:s9], $0x5FFFF  }
0xae: {  	[dreg:$0x1] =	wrdreg $0xFFFFFFFF  }
0xaf: {  	[dreg:$0x0] =	wrdreg $0x60  }
0xb0: {  	[dreg:$0x2] =	wrdreg s2  }
0xb1: {  	[dreg:$0x3] =	wrdreg s19  }
0xb2: {  	[dreg:$0x4] =	wrdreg s4  }
0xb3: {  	[dreg:$0x5] =	wrdreg $0x9  }
0xb4: {  	_ =	task.clear_ibuf [dreg:s9], $0x6FFFF;
	_ =	strace $0x90000046  }
0xb5: {  	s29 =	simm.s32 $0x9;
	_ =	strace $0x80000048  }
0xb6: {  	_ =	swait.ge [sflag:s29], $0x1  }
0xb7: {  	[sflag:s29] =	ssyncadd.s32 $0xFFFFFFFF  }
0xb8: {  	_ =	strace $0x90000048  }
0xb9: {  	_ =	sfence  }
0xba: {  	s30 =	sld [smem:$0x0];
	_ =	sdelay $0x2  }
0xbb: {  	s31 =	sshll.u32 s1, $0xD;
	s1 =	sshrl.u32 s1, $0x2  }
0xbc: {  	s3 =	sand.u32 $0x4000, s31;
	s1 =	sadd.s32 s1, s30  }
0xbd: {  	s0 =	sor.u32 s3, s0;
	s1 =	sshll.u32 s1, $0x11  }
0xbe: {  	s0 =	sor.u32 s1, s0  }
0xbf: {  	s0 =	sadd.s32 $0x8F2B, s0  }
0xc0: {  	[sflag:s0] =	ssyncadd.remote.s32 $0x1  }
0xc1: {  	_ =	sfence.sel $0xFFFF  }
0xc2: {  	[dreg:$0x0] =	wrdreg $0xFFFFFFFF;
	(pc) =	sbr.abs _section_cstart, $3  }
0xc3: {  	[dreg:$0x1] =	wrdreg $0xFFFFFFFF  }
0xc4: {  	_ =	task.clear_ibuf [dreg:s9], $0x2FFFF;
	_ =	strace $0x9FFFFFFF  }
0xc5: {  	(tm) =	ssettm $0x7FFFFFFF  }
tec
execute0_lowered:
.L_overlay_start_1:
0x0: {  	(tag) =	ssettag $0x1  }
0x1: {  	s0 =	rddreg [dreg:$0x0]  }
0x2: {  	s1 =	rddreg [dreg:$0x1]  }
0x3: {  	s3 =	rddreg [dreg:$0x2]  }
0x4: {  	s4 =	srdreg.scid;
	s2 =	simm.s32 $0x0;
	s9 =	stileid.u32  }
0x5: {  	s28 =	simm.s32 $0x3;
	s29 =	simm.s32 $0x5;
	s30 =	simm.s32 $0x4  }
0x6: {  	s31 =	simm.s32 $0x6;
	s4 =	sand.u32 $0x1, s4;
	s6 =	sshll.u32 s9, $0xB  }
0x7: {  	[smem:$0x7FF] =	sst s2;
	s21 =	sshll.u32 s9, $0x4;
	s9 =	sshll.u32 s9, $0x8  }
0x8: {  	s5 =	ssub.s32 $0x2, s4;
	s4 =	sshll.u32 s4, $0x11;
	_ =	strace $0x80000047  }
0x9: {  	s9 =	sand.u32 $0x800, s9;
	s7 =	sshrl.u32 s5, $0x1;
	s4 =	sor.u32 s6, s4  }
0xa: {  	s5 =	ssub.s32 s5, s7;
	s6 =	sor.u32 $0x8000, s4;
	s19 =	sadd.s32 s0, s4  }
0xb: {  	s8 =	sor.u32 $0x10000, s4;
	s7 =	sand.u32 $0x70, s21;
	s10 =	sor.u32 $0x18000, s4  }
0xc: {  	s24 =	sadd.s32 s3, s4;
	s21 =	simm.s32 $0x1A080;
	[dreg:$0x4] =	wrdreg s19  }
0xd: {  	s20 =	sadd.s32 s0, s6;
	s1 =	sadd.s32 s1, s7;
	[dreg:$0x9] =	wrdreg s24  }
0xe: {  	s22 =	sadd.s32 s0, s8;
	s0 =	sadd.s32 s0, s10;
	[dreg:$0x5] =	wrdreg s20  }
0xf: {  	s25 =	sadd.s32 s3, s6;
	s26 =	sadd.s32 s3, s8;
	[dreg:$0x6] =	wrdreg s22  }
0x10: {  	s11 =	sadd.s32 s3, s10;
	s12 =	smax.u32 s5, $0x1;
	[dreg:$0x7] =	wrdreg s0  }
0x11: {  	s19 =	simm.s32 $0x7;
	s24 =	simm.s32 $0x11000;
	[dreg:$0xa] =	wrdreg s25  }
0x12: {  	s23 =	sadd.s32 s9, s1;
	[dreg:$0xb] =	wrdreg s26;
	s20 =	simm.s32 $0x19000  }
0x13: {  	v1 =	vlaneseq.u32;
	s22 =	simm.s32 $0x1A880;
	s25 =	simm.s32 $0x2;
	s26 =	simm.s32 $0x15000  }
0x14: {  	v0 =	vimm.s32 $0x0;
	v1 =	vor.u32 $0x800, v1;
	s0 =	simm.s32 $0x0;
	[dreg:$0x8] =	wrdreg s23;
	s23 =	simm.s32 $0x1  }
.LBB2_1:
0x15: {  	s1 =	rddreg [dreg:$0x4];
	s3 =	simm.s32 $0x1000  }
0x16: {  	[tilespmem:s3], [sflag:$0x1] =	stream.linear.gather [hbm4b:s1+s2], $0x4000, $0x38;
	[tilespmem:$0x1A900] =	vst v63  }
0x17: {  	s9 =	rddreg [dreg:$0x5];
	s10 =	simm.s32 $0x5000  }
0x18: {  	[tilespmem:s10], [sflag:$0x2] =	stream.linear.gather [hbm4b:s9+s2], $0x4000, $0x38;
	[tilespmem:$0x1A900] =	vst v63  }
0x19: {  	s13 =	rddreg [dreg:$0x6];
	s14 =	simm.s32 $0x9000  }
0x1a: {  	[tilespmem:s14], [sflag:$0x3] =	stream.linear.gather [hbm4b:s13+s2], $0x4000, $0x38;
	[tilespmem:$0x1A900] =	vst v63  }
0x1b: {  	s15 =	rddreg [dreg:$0x7];
	s16 =	simm.s32 $0xD000  }
0x1c: {  	[tilespmem:s16], [sflag:$0x4] =	stream.linear.gather [hbm4b:s15+s2], $0x4000, $0x38;
	[tilespmem:$0x1A900] =	vst v63  }
0x1d: {  	s17 =	rddreg [dreg:$0x8];
	s18 =	simm.s32 $0x80;
	s4 =	simm.s32 $0x400  }
0x1e: {  	[tilespmem:s2], [sflag:$0x7] =	stream.strided.gather [hbm4b:s17+s18], $0x800, s4, s18, $0x38;
	[tilespmem:$0x1A900] =	vst v63  }
0x1f: {  	_ =	swait.ge [sflag:s19], $0x800  }
0x20: {  	[sflag:s19] =	ssyncset.done $0x0  }
0x21: {  	s3 =	simm.s32 $0x19020;
	[sflag:s19] =	ssyncadd.s32 $0xFFFFF800  }
0x22: {  	[tilespmem:s3+$0xFFFFFFE0] =	vst v0  }
0x23: {  	[tilespmem:s3+$0x10] =	vst v0  }
0x24: {  	s5 =	simm.s32 $0x0;
	s1 =	simm.s32 $0x19890;
	s4 =	simm.s32 $0x10;
	[tilespmem:s3+$0x0] =	vst v0  }
.LBB2_2:
0x25: {  	s5 =	sadd.s32 $0x4, s5  }
0x26: {  	[tilespmem:s3+$0xFFFFFFF0] =	vst v0;
	s3 =	sadd.s32 $0x40, s3;
	p0 =	slt.u32 s5, $0x7C  }
.Ltmp0:
0x27: {  	[tilespmem:s3+$0xFFFFFFE0] =	vst v0;
	(pc) =	sbr.rel @p0 .LBB2_2-.Ltmp0, $3  }
0x28: {  	_ =	sdelay $0x1  }
0x29: {  	[tilespmem:s3+$0x10] =	vst v0  }
0x2a: {  	[tilespmem:s3+$0x0] =	vst v0  }
0x2b: {  	[tilespmem:s3+$0xFFFFFFF0] =	vst v0  }
0x2c: {  	v2 =	vld [tilespmem:s4+$0x0]  }
0x2d: {  	v3 =	vld [tilespmem:s4+$0xFFFFFFF0];
	_ =	sdelay $0x3  }
0x2e: {  	(xrf1) =	vunique.msk.u32 $0xffff, v2  }
0x2f: {  	(xrf1) =	vunique.msk.u32 $0xffff, v3;
	_ =	sdelay $0x1  }
0x30: {  	s5 =	simm.s32 $0x30  }
0x31: {  	v4 =	vld [tilespmem:s5+$0x0];
	_ =	sdelay $0x1  }
0x32: {  	v5 =	vld [tilespmem:s5+$0xFFFFFFF0]  }
0x33: {  	s6 =	simm.s32 $0x50  }
0x34: {  	v6 =	vld [tilespmem:s6+$0x0]  }
0x35: {  	s3 =	simm.s32 $0x70;
	v10 =	vld [tilespmem:s6+$0xFFFFFFF0];
	(xrf1) =	vunique.msk.u32 $0xffff, v4  }
0x36: {  	v14 =	vld [tilespmem:s3+$0x0]  }
0x37: {  	v15 =	vld [tilespmem:s3+$0xFFFFFFF0];
	(xrf1) =	vunique.msk.u32 $0xffff, v5;
	_ =	sdelay $0x1  }
0x38: {  	(xrf1) =	vunique.msk.u32 $0xffff, v6  }
0x39: {  	_, v8, vm0 =	vpop (xrf1);
	(xrf1) =	vunique.msk.u32 $0xffff, v10  }
0x3a: {  	_, v9, vm1 =	vpop (xrf1);
	(xrf1) =	vunique.msk.u32 $0xffff, v14  }
0x3b: {  	(xrf1) =	vunique.msk.u32 $0xffff, v15;
	_ =	sdelay $0x1  }
0x3c: {  	s7 =	simm.s32 $0x0  }
0x3d: {  	v11 =	vadd.s32 s7, v3  }
0x3e: {  	s16 =	simm.s32 $0x20;
	v2 =	vadd.s32 s4, v2;
	v7 =	vadd.s32 s5, v4;
	v13 =	vsel vm1, v11, v1  }
0x3f: {  	s17 =	simm.s32 $0x40;
	v12 =	vadd.s32 s16, v5;
	s4 =	simm.s32 $0x90;
	v16 =	vadd.s32 $0xFFFFFFFF, v8;
	v11 =	vsel vm0, v2, v1  }
0x40: {  	s18 =	simm.s32 $0x60;
	v3 =	vadd.s32 s6, v6;
	v5 =	vadd.s32 s17, v10;
	v4 =	vadd.s32 $0xFFFFFFFF, v9;
	v2 =	vld [tilespmem:s4+$0x0];
	[tilespmem:s1+$0x0] =	vst v16  }
0x41: {  	s5 =	simm.s32 $0x8;
	v6 =	vadd.s32 s3, v14;
	v10 =	vadd.s32 s18, v15;
	_, v14, vm0 =	vpop (xrf1);
	[tilespmem:s1+$0xFFFFFFF0] =	vst v4;
	v4 =	vld [tilespmem:s4+$0xFFFFFFF0]  }
.LBB2_4:
0x42: {  	s5 =	sadd.s32 $0x2, s5  }
0x43: {  	[tilespmem:v13+s20+$0x0] =	vst.idx.msk $0xffff, v9;
	_, v9, vm1 =	vpop (xrf1);
	s1 =	sadd.s32 $0x20, s1;
	p0 =	slt.u32 s5, $0x7E  }
.Ltmp1:
0x44: {  	v15 =	vadd.s32 $0xFFFFFFFF, v9;
	v13 =	vsel vm1, v12, v1;
	[tilespmem:v11+s20+$0x0] =	vst.idx.msk $0xffff, v8;
	v11 =	vsel vm0, v7, v1;
	(pc) =	sbr.rel @p0 .LBB2_4-.Ltmp1, $4  }
0x45: {  	s3 =	sadd.s32 $0x20, s3;
	v7 =	vmovc v3;
	v3 =	vmovc v6;
	v12 =	vmov v5;
	v5 =	vmov v10;
	v8 =	vmov v14;
	[tilespmem:s1+$0xFFFFFFF0] =	vst v15  }
0x46: {  	s4 =	sadd.s32 $0x20, s4;
	s6 =	sadd.s32 $0xFFFFFFF0, s3;
	v6 =	vadd.s32 s3, v2;
	(xrf1) =	vunique.msk.u32 $0xffff, v2  }
0x47: {  	v15 =	vadd.s32 $0xFFFFFFFF, v8;
	v2 =	vld [tilespmem:s4+$0x0];
	v10 =	vadd.s32 s6, v4;
	(xrf1) =	vunique.msk.u32 $0xffff, v4  }
0x48: {  	v4 =	vld [tilespmem:s4+$0xFFFFFFF0];
	_, v14, vm0 =	vpop (xrf1);
	[tilespmem:s1+$0x0] =	vst v15  }
0x49: {  	_ =	sdelay $0x2  }
0x4a: {  	(xrf1) =	vunique.msk.u32 $0xffff, v2  }
0x4b: {  	(xrf1) =	vunique.msk.u32 $0xffff, v4;
	_ =	sdelay $0x1  }
0x4c: {  	_, v15, vm1 =	vpop (xrf1)  }
0x4d: {  	[tilespmem:v13+s20+$0x0] =	vst.idx.msk $0xffff, v9;
	_, v52, vm10 =	vpop (xrf1)  }
0x4e: {  	v7 =	vsel vm0, v7, v1;
	s1 =	sadd.s32 $0x20, s1;
	[tilespmem:v11+s20+$0x0] =	vst.idx.msk $0xffff, v8;
	v53 =	vadd.s32 $0xFFFFFFFF, v14;
	_, v54, vm11 =	vpop (xrf1)  }
0x4f: {  	v51 =	vadd.s32 $0xFFFFFFFF, v15;
	[tilespmem:s1+$0x0] =	vst v53;
	v5 =	vsel vm11, v5, v1  }
0x50: {  	v12 =	vsel vm1, v12, v1;
	[tilespmem:s1+$0xFFFFFFF0] =	vst v51;
	s1 =	sadd.s32 $0x20, s1;
	v57 =	vadd.s32 $0xFFFFFFFF, v52  }
0x51: {  	v3 =	vsel vm10, v3, v1;
	v55 =	vadd.s32 $0xFFFFFFFF, v54;
	[tilespmem:s1+$0x0] =	vst v57  }
0x52: {  	[tilespmem:s1+$0xFFFFFFF0] =	vst v55  }
0x53: {  	[tilespmem:v7+s20+$0x0] =	vst.idx.msk $0xffff, v14;
	_, v56, vm12 =	vpop (xrf1)  }
0x54: {  	[tilespmem:v5+s20+$0x0] =	vst.idx.msk $0xffff, v54;
	_, v58, vm13 =	vpop (xrf1);
	v5 =	vsel vm12, v6, v1  }
0x55: {  	[tilespmem:v12+s20+$0x0] =	vst.idx.msk $0xffff, v15;
	v59 =	vsel vm13, v10, v1  }
0x56: {  	s3 =	sadd.s32 $0x20, s3;
	s1 =	sadd.s32 $0x20, s1;
	[tilespmem:v3+s20+$0x0] =	vst.idx.msk $0xffff, v52;
	v61 =	vadd.s32 $0xFFFFFFFF, v56  }
0x57: {  	s4 =	sadd.s32 $0xFFFFFFF0, s3;
	v2 =	vadd.s32 s3, v2;
	v60 =	vadd.s32 $0xFFFFFFFF, v58;
	[tilespmem:s1+$0x0] =	vst v61;
	_, v3, vm14 =	vpop (xrf1)  }
0x58: {  	v4 =	vadd.s32 s4, v4;
	[tilespmem:s1+$0xFFFFFFF0] =	vst v60;
	_, v62, vm15 =	vpop (xrf1);
	v63 =	vsel vm14, v2, v1  }
0x59: {  	[tilespmem:v5+s20+$0x0] =	vst.idx.msk $0xffff, v56;
	v4 =	vsel vm15, v4, v1  }
0x5a: {  	s1 =	sadd.s32 $0x20, s1;
	[tilespmem:v59+s20+$0x0] =	vst.idx.msk $0xffff, v58;
	v2 =	vadd.s32 $0xFFFFFFFF, v62  }
0x5b: {  	[tilespmem:s1+$0xFFFFFFF0] =	vst v2;
	v2 =	vadd.s32 $0xFFFFFFFF, v3  }
0x5c: {  	[tilespmem:s1+$0x0] =	vst v2  }
0x5d: {  	[tilespmem:v63+s20+$0x0] =	vst.idx.msk $0xffff, v3  }
0x5e: {  	s18 =	simm.s32 $0x0;
	v2 =	vimm.s32 $0x0;
	[tilespmem:v4+s20+$0x0] =	vst.idx.msk $0xffff, v62  }
0x5f: {  	s1 =	simm.s32 $0x40;
	[tilespmem:s18+$0x1A080] =	vst v2;
	v3 =	vld [tilespmem:s18+$0x19000]  }
.LBB2_6:
0x60: {  	p0 =	sne.s32 s1, $0x1FC0  }
.Ltmp2:
0x61: {  	_ = 	snop;
	(pc) =	sbr.rel @p0 .LBB2_6-.Ltmp2, $3  }
0x62: {  	_ =	sdelay $0x1  }
0x63: {  	s3 =	sshra.s32 s1, $0x2;
	s1 =	sadd.s32 $0x40, s1;
	v2 =	vadd.s32 v2, v3  }
0x64: {  	[tilespmem:s3+$0x1A080] =	vst v2;
	v3 =	vld [tilespmem:s3+$0x19000]  }
0x65: {  	_ =	sdelay $0x3  }
0x66: {  	v2 =	vadd.s32 v2, v3  }
0x67: {  	(xrf0) =	vadd.scan.msk.s32 $0xffff, v2;
	_ =	sdelay $0x5  }
0x68: {  	v2, _, _ =	vpop (xrf0)  }
0x69: {  	v2 =	vsub.s32 $0x800, v2  }
0x6a: {  	s1 =	simm.s32 $0x10;
	[tilespmem:$0x1A880] =	vst v2  }
0x6b: {  	v2 =	vld [tilespmem:s1+$0x0]  }
0x6c: {  	v3 =	vld [tilespmem:s1+$0xFFFFFFF0];
	_ =	sdelay $0x2  }
0x6d: {  	s18 =	simm.s32 $0x30  }
0x6e: {  	s3 =	simm.s32 $0x0;
	v5 =	vld [tilespmem:s18+$0x0];
	v4 =	vadd.s32 s1, v2  }
0x6f: {  	s4 =	simm.s32 $0x19890;
	v8 =	vld [tilespmem:s18+$0xFFFFFFF0];
	v6 =	vadd.s32 s3, v3  }
0x70: {  	v11 =	vld [tilespmem:s4+$0x0]  }
0x71: {  	v9 =	vld.idx.msk [tilespmem:v2+s22+$0x0], $0xffff  }
0x72: {  	v10 =	vld.idx.msk [tilespmem:v3+s22+$0x0], $0xffff  }
0x73: {  	v3 =	vld.idx.msk [tilespmem:v4+s21+$0x0], $0xffff  }
0x74: {  	v4 =	vld.idx.msk [tilespmem:v6+s21+$0x0], $0xffff  }
0x75: {  	s5 =	simm.s32 $0x20;
	v13 =	vld [tilespmem:s4+$0xFFFFFFF0];
	v12 =	vadd.s32 s18, v5;
	s3 =	simm.s32 $0x50  }
0x76: {  	v14 =	vadd.s32 s5, v8;
	v7 =	vld [tilespmem:s3+$0xFFFFFFF0]  }
0x77: {  	v2 =	vld.idx.msk [tilespmem:v5+s22+$0x0], $0xffff  }
0x78: {  	v6 =	vld [tilespmem:s3+$0x0];
	v5 =	vadd.s32 v3, v9  }
0x79: {  	v3 =	vld.idx.msk [tilespmem:v8+s22+$0x0], $0xffff;
	v8 =	vadd.s32 v4, v10;
	v9 =	vadd.s32 v11, v5  }
0x7a: {  	v4 =	vld.idx.msk [tilespmem:v12+s21+$0x0], $0xffff;
	v10 =	vadd.s32 v13, v8;
	vm0 =	vgt.s32 v9, $0x0  }
0x7b: {  	s4 =	simm.s32 $0x198B0;
	v5 =	vld.idx.msk [tilespmem:v14+s21+$0x0], $0xffff;
	vm1 =	vgt.s32 v10, $0x0;
	v9 =	vnsel vm0, $0x0, v9  }
0x7c: {  	s1 =	simm.s32 $0x810;
	v8 =	vld [tilespmem:s4+$0x0];
	v11 =	vnsel vm1, $0x0, v10;
	v63 =	vmin.u32 v9, $0x7FF  }
0x7d: {  	s7 =	simm.s32 $0x40;
	s6 =	simm.s32 $0x70;
	s5 =	simm.s32 $0x4;
	v10 =	vadd.s32 s3, v6;
	v9 =	vld [tilespmem:s4+$0xFFFFFFF0];
	v11 =	vmin.u32 v11, $0x7FF;
	[tilespmem:s1+$0x0] =	vst v63  }
.LBB2_8:
0x7e: {  	v12 =	vld [tilespmem:s6+$0x0];
	s5 =	sadd.s32 $0x2, s5;
	v13 =	vadd.s32 s7, v7;
	[tilespmem:s1+$0xFFFFFFF0] =	vst v11;
	s1 =	sadd.s32 $0x20, s1  }
0x7f: {  	v11 =	vld [tilespmem:s6+$0xFFFFFFF0];
	p0 =	slt.u32 s5, $0x7E  }
0x80: {  	v4 =	vadd.s32 v4, v2;
	v2 =	vld.idx.msk [tilespmem:v6+s22+$0x0], $0xffff  }
.Ltmp3:
0x81: {  	v5 =	vadd.s32 v5, v3;
	v3 =	vld.idx.msk [tilespmem:v7+s22+$0x0], $0xffff;
	v8 =	vadd.s32 v8, v4;
	(pc) =	sbr.rel @p0 .LBB2_8-.Ltmp3, $4  }
0x82: {  	v4 =	vld.idx.msk [tilespmem:v10+s21+$0x0], $0xffff;
	v10 =	vadd.s32 v9, v5;
	vm0 =	vgt.s32 v8, $0x0  }
0x83: {  	s4 =	sadd.s32 $0x20, s4;
	v5 =	vld.idx.msk [tilespmem:v13+s21+$0x0], $0xffff;
	vm1 =	vgt.s32 v10, $0x0;
	v9 =	vnsel vm0, $0x0, v8;
	v6 =	vmov v12  }
0x84: {  	s3 =	sadd.s32 $0x20, s3;
	v8 =	vld [tilespmem:s4+$0x0];
	v12 =	vnsel vm1, $0x0, v10;
	v13 =	vmin.u32 v9, $0x7FF;
	v7 =	vmov v11  }
0x85: {  	s7 =	sadd.s32 $0xFFFFFFF0, s3;
	s6 =	sadd.s32 $0x20, s6;
	v10 =	vadd.s32 s3, v6;
	v9 =	vld [tilespmem:s4+$0xFFFFFFF0];
	v11 =	vmin.u32 v12, $0x7FF;
	[tilespmem:s1+$0x0] =	vst v13  }
0x86: {  	_ =	sdelay $0x2  }
0x87: {  	v12 =	vadd.s32 s7, v7  }
0x88: {  	v6 =	vld.idx.msk [tilespmem:v6+s22+$0x0], $0xffff  }
0x89: {  	v7 =	vld.idx.msk [tilespmem:v7+s22+$0x0], $0xffff  }
0x8a: {  	v10 =	vld.idx.msk [tilespmem:v10+s21+$0x0], $0xffff;
	s3 =	sadd.s32 $0x20, s4  }
0x8b: {  	v13 =	vld [tilespmem:s3+$0x0]  }
0x8c: {  	v12 =	vld.idx.msk [tilespmem:v12+s21+$0x0], $0xffff  }
0x8d: {  	v2 =	vadd.s32 v4, v2;
	v4 =	vld [tilespmem:s3+$0xFFFFFFF0]  }
0x8e: {  	v3 =	vadd.s32 v5, v3;
	v2 =	vadd.s32 v8, v2  }
0x8f: {  	v3 =	vadd.s32 v9, v3;
	vm0 =	vgt.s32 v2, $0x0  }
0x90: {  	vm1 =	vgt.s32 v3, $0x0;
	v2 =	vnsel vm0, $0x0, v2;
	v5 =	vadd.s32 v10, v6  }
0x91: {  	v3 =	vnsel vm1, $0x0, v3;
	v5 =	vadd.s32 v13, v5;
	v6 =	vadd.s32 v12, v7  }
0x92: {  	[tilespmem:s1+$0xFFFFFFF0] =	vst v11;
	s10 =	sadd.s32 $0x20, s1;
	v2 =	vmin.u32 v2, $0x7FF;
	vm14 =	vgt.s32 v5, $0x0;
	v4 =	vadd.s32 v4, v6  }
0x93: {  	v3 =	vmin.u32 v3, $0x7FF;
	[tilespmem:s10+$0x0] =	vst v2;
	v2 =	vnsel vm14, $0x0, v5;
	vm15 =	vgt.s32 v4, $0x0  }
0x94: {  	s1 =	sadd.s32 $0x20, s10;
	[tilespmem:s10+$0xFFFFFFF0] =	vst v3;
	v2 =	vmin.u32 v2, $0x7FF;
	v3 =	vnsel vm15, $0x0, v4  }
0x95: {  	[tilespmem:s1+$0x0] =	vst v2;
	v3 =	vmin.u32 v3, $0x7FF  }
0x96: {  	s5 =	simm.s32 $0x0;
	[tilespmem:s1+$0xFFFFFFF0] =	vst v3  }
0x97: {  	s13 =	sand.u32 $0x60, s5;
	_ =	swait.ge [sflag:s23], $0x4000  }
0x98: {  	s15 =	sand.u32 $0x780, s5;
	s14 =	sor.u32 $0x10, s13;
	[sflag:s23] =	ssyncset.done $0x0  }
0x99: {  	s4 =	sor.u32 s14, s15;
	[sflag:s23] =	ssyncadd.s32 $0xFFFFC000  }
0x9a: {  	v2 =	vld [tilespmem:s4+$0x800]  }
0x9b: {  	s16 =	simm.s32 $0x800  }
0x9c: {  	v3 =	vld [tilespmem:s16+$0x0];
	_ =	sdelay $0x1  }
0x9d: {  	s17 =	sand.u32 $0x3C00, s5  }
0x9e: {  	s4 =	sadd.s32 $0x1000, s17;
	v4 =	vshll.u32 v2, $0x3  }
0x9f: {  	s18 =	sor.u32 s14, s4;
	v2 =	vand.u32 $0x7F, v2;
	v4 =	vand.u32 $0xFFFFFC00, v4  }
0xa0: {  	v5 =	vld [tilespmem:s18+$0x0];
	v8 =	vor.u32 v2, v4;
	v2 =	vshll.u32 v3, $0x3  }
0xa1: {  	s6 =	sor.u32 s13, s4;
	v3 =	vand.u32 $0x7F, v3;
	v2 =	vand.u32 $0xFFFFFC00, v2  }
0xa2: {  	v4 =	vld [tilespmem:s6+$0x0];
	v7 =	vor.u32 v3, v2;
	_ =	sdelay $0x2  }
0xa3: {  	[tilespmem:v8+s24+$0x0] =	vst.idx.msk $0xffff, v5  }
0xa4: {  	s8 =	simm.s32 $0x20;
	v3 =	vor.u32 $0x80, v8;
	v2 =	vld [tilespmem:s18+$0x80]  }
0xa5: {  	s9 =	sand.u32 $0x60, s8;
	[tilespmem:v7+s24+$0x0] =	vst.idx.msk $0xffff, v4  }
0xa6: {  	s10 =	sor.u32 $0x10, s9;
	s1 =	sand.u32 $0x780, s8;
	v5 =	vor.u32 $0x80, v7;
	v4 =	vld [tilespmem:s6+$0x80]  }
0xa7: {  	s1 =	sor.u32 s10, s1  }
0xa8: {  	s8 =	simm.s32 $0x820;
	v6 =	vld [tilespmem:s1+$0x800]  }
0xa9: {  	v9 =	vld [tilespmem:s8+$0x0];
	[tilespmem:v3+s24+$0x0] =	vst.idx.msk $0xffff, v2  }
0xaa: {  	v10 =	vor.u32 $0x100, v8;
	v3 =	vld [tilespmem:s18+$0x100]  }
0xab: {  	s1 =	simm.s32 $0x100;
	[tilespmem:v5+s24+$0x0] =	vst.idx.msk $0xffff, v4  }
0xac: {  	s13 =	sand.u32 $0x3C00, s1;
	v5 =	vor.u32 $0x100, v7;
	v4 =	vld [tilespmem:s6+$0x100]  }
0xad: {  	s8 =	sadd.s32 $0x1000, s13;
	v2 =	vshll.u32 v6, $0x3  }
0xae: {  	s3 =	sor.u32 s10, s8;
	v6 =	vand.u32 $0x7F, v6;
	v2 =	vand.u32 $0xFFFFFC00, v2  }
0xaf: {  	v11 =	vld [tilespmem:s3+$0x0];
	v2 =	vor.u32 v6, v2;
	[tilespmem:v10+s24+$0x0] =	vst.idx.msk $0xffff, v3;
	v3 =	vshll.u32 v9, $0x3  }
0xb0: {  	s4 =	sor.u32 s9, s8;
	v10 =	vor.u32 $0x180, v8;
	v9 =	vand.u32 $0x7F, v9;
	v6 =	vld [tilespmem:s18+$0x180];
	v3 =	vand.u32 $0xFFFFFC00, v3  }
0xb1: {  	[tilespmem:v5+s24+$0x0] =	vst.idx.msk $0xffff, v4;
	v4 =	vld [tilespmem:s4+$0x0];
	v3 =	vor.u32 v9, v3;
	_ =	sdelay $0x1  }
0xb2: {  	v9 =	vor.u32 $0x180, v7;
	v5 =	vld [tilespmem:s6+$0x180]  }
0xb3: {  	s14 =	simm.s32 $0x40;
	[tilespmem:v2+s24+$0x0] =	vst.idx.msk $0xffff, v11  }
0xb4: {  	s9 =	sand.u32 $0x60, s14;
	v12 =	vor.u32 $0x80, v2;
	v11 =	vld [tilespmem:s3+$0x80];
	[tilespmem:v10+s24+$0x0] =	vst.idx.msk $0xffff, v6  }
0xb5: {  	s8 =	sand.u32 $0x780, s14;
	s10 =	sor.u32 $0x10, s9;
	v10 =	vor.u32 $0x200, v8;
	v6 =	vld [tilespmem:s18+$0x200];
	[tilespmem:v3+s24+$0x0] =	vst.idx.msk $0xffff, v4  }
0xb6: {  	s8 =	sor.u32 s10, s8;
	v13 =	vor.u32 $0x80, v3;
	v4 =	vld [tilespmem:s4+$0x80]  }
0xb7: {  	v14 =	vld [tilespmem:s8+$0x800];
	[tilespmem:v9+s24+$0x0] =	vst.idx.msk $0xffff, v5  }
0xb8: {  	s13 =	simm.s32 $0x840;
	v9 =	vor.u32 $0x200, v7;
	v5 =	vld [tilespmem:s6+$0x200]  }
0xb9: {  	v15 =	vld [tilespmem:s13+$0x0];
	[tilespmem:v12+s24+$0x0] =	vst.idx.msk $0xffff, v11  }
0xba: {  	v11 =	vor.u32 $0x100, v2;
	[tilespmem:v10+s24+$0x0] =	vst.idx.msk $0xffff, v6;
	v10 =	vld [tilespmem:s3+$0x100]  }
0xbb: {  	s13 =	simm.s32 $0x200;
	[tilespmem:v13+s24+$0x0] =	vst.idx.msk $0xffff, v4;
	v12 =	vld [tilespmem:s18+$0x280];
	v13 =	vor.u32 $0x280, v8  }
0xbc: {  	s5 =	sand.u32 $0x3, s5;
	s15 =	sand.u32 $0x3C00, s13  }
0xbd: {  	s5 =	sshll.u32 s5, $0x5;
	s7 =	sadd.s32 $0x1000, s15;
	v4 =	vshll.u32 v14, $0x3;
	v16 =	vld [tilespmem:s4+$0x100];
	[tilespmem:v9+s24+$0x0] =	vst.idx.msk $0xffff, v5;
	v5 =	vor.u32 $0x100, v3  }
0xbe: {  	s5 =	sadd.s32 $0x0, s5;
	s14 =	sor.u32 s10, s7;
	v17 =	vor.u32 $0x280, v7;
	v14 =	vand.u32 $0x7F, v14;
	v4 =	vand.u32 $0xFFFFFC00, v4;
	v9 =	vld [tilespmem:s6+$0x280]  }
0xbf: {  	s17 =	sadd.s32 $0x10, s5;
	v18 =	vld [tilespmem:s14+$0x0];
	v4 =	vor.u32 v14, v4;
	[tilespmem:v11+s24+$0x0] =	vst.idx.msk $0xffff, v10  }
0xc0: {  	s18 =	sor.u32 $0x300, s17;
	v14 =	vor.u32 $0x180, v2;
	v10 =	vshll.u32 v15, $0x3;
	v11 =	vld [tilespmem:s3+$0x180];
	[tilespmem:v13+s24+$0x0] =	vst.idx.msk $0xffff, v12  }
0xc1: {  	s15 =	sor.u32 s9, s7;
	v12 =	vand.u32 $0x7F, v15;
	v10 =	vand.u32 $0xFFFFFC00, v10;
	v15 =	vor.u32 $0x300, v8;
	v13 =	vld [tilespmem:s18+$0x1000]  }
0xc2: {  	s16 =	simm.s32 $0x860;
	[tilespmem:v5+s24+$0x0] =	vst.idx.msk $0xffff, v16;
	v16 =	vld [tilespmem:s15+$0x0];
	v5 =	vor.u32 v12, v10  }
0xc3: {  	v6 =	vld [tilespmem:s16+$0x0];
	[tilespmem:v17+s24+$0x0] =	vst.idx.msk $0xffff, v9  }
0xc4: {  	s10 =	sor.u32 $0x300, s5;
	v10 =	vor.u32 $0x180, v3;
	v9 =	vld [tilespmem:s4+$0x180];
	[tilespmem:v4+s24+$0x0] =	vst.idx.msk $0xffff, v18  }
0xc5: {  	v17 =	vor.u32 $0x300, v7;
	v12 =	vld [tilespmem:s10+$0x1000];
	[tilespmem:v14+s24+$0x0] =	vst.idx.msk $0xffff, v11  }
0xc6: {  	v18 =	vld [tilespmem:s14+$0x80];
	v11 =	vor.u32 $0x80, v4;
	[tilespmem:v15+s24+$0x0] =	vst.idx.msk $0xffff, v13  }
0xc7: {  	s18 =	simm.s32 $0x60;
	v14 =	vld [tilespmem:s3+$0x200];
	v13 =	vor.u32 $0x200, v2;
	[tilespmem:v5+s24+$0x0] =	vst.idx.msk $0xffff, v16  }
0xc8: {  	s16 =	sor.u32 $0x380, s17;
	s6 =	sand.u32 $0x60, s18;
	v19 =	vor.u32 $0x80, v5;
	v15 =	vld [tilespmem:s15+$0x80]  }
0xc9: {  	v20 =	vor.u32 $0x380, v8;
	s17 =	sand.u32 $0x780, s18;
	s7 =	sor.u32 $0x10, s6;
	v16 =	vld [tilespmem:s16+$0x1000];
	[tilespmem:v10+s24+$0x0] =	vst.idx.msk $0xffff, v9  }
0xca: {  	s8 =	sor.u32 s7, s17;
	v10 =	vor.u32 $0x200, v3;
	v9 =	vld [tilespmem:s4+$0x200];
	[tilespmem:v17+s24+$0x0] =	vst.idx.msk $0xffff, v12  }
0xcb: {  	s5 =	sor.u32 $0x380, s5;
	v17 =	vld [tilespmem:s8+$0x800];
	[tilespmem:v11+s24+$0x0] =	vst.idx.msk $0xffff, v18  }
0xcc: {  	v12 =	vor.u32 $0x380, v7;
	v11 =	vld [tilespmem:s5+$0x1000];
	[tilespmem:v13+s24+$0x0] =	vst.idx.msk $0xffff, v14  }
0xcd: {  	s17 =	simm.s32 $0x1;
	v13 =	vld [tilespmem:s14+$0x100];
	[tilespmem:v19+s24+$0x0] =	vst.idx.msk $0xffff, v15;
	v15 =	vor.u32 $0x100, v4  }
0xce: {  	s9 =	sand.u32 $0x3, s17;
	s16 =	simm.s32 $0x300;
	v7 =	vor.u32 $0x280, v2;
	v8 =	vld [tilespmem:s3+$0x280];
	[tilespmem:v20+s24+$0x0] =	vst.idx.msk $0xffff, v16  }
0xcf: {  	s9 =	sshll.u32 s9, $0x5;
	s8 =	sand.u32 $0x3C00, s16;
	v16 =	vor.u32 $0x100, v5;
	v14 =	vld [tilespmem:s15+$0x100];
	[tilespmem:v10+s24+$0x0] =	vst.idx.msk $0xffff, v9  }
0xd0: {  	s10 =	sadd.s32 $0x1000, s8;
	s5 =	simm.s32 $0x880;
	s3 =	simm.s32 $0x6;
	v18 =	vshll.u32 v17, $0x3;
	v10 =	vor.u32 $0x280, v3;
	v9 =	vld [tilespmem:s4+$0x280]  }
.LBB2_10:
0xd1: {  	v19 =	vld [tilespmem:s5+$0x0];
	s6 =	sor.u32 s6, s10;
	s4 =	sor.u32 s7, s10;
	v17 =	vand.u32 $0x7F, v17;
	v18 =	vand.u32 $0xFFFFFC00, v18;
	s1 =	sadd.s32 s9, s1;
	[tilespmem:v12+s24+$0x0] =	vst.idx.msk $0xffff, v11  }
0xd2: {  	v11 =	vld [tilespmem:s4+$0x0];
	v12 =	vor.u32 v17, v18;
	[tilespmem:v15+s24+$0x0] =	vst.idx.msk $0xffff, v13;
	s7 =	sor.u32 $0x300, s1;
	s9 =	sor.u32 $0x380, s1;
	s10 =	sadd.s32 $0x10, s1  }
0xd3: {  	s8 =	smov.u32 s15;
	v13 =	vshll.u32 v6, $0x3;
	v17 =	vor.u32 $0x180, v4;
	s15 =	smov.u32 s6;
	v15 =	vld [tilespmem:s14+$0x180];
	[tilespmem:v7+s24+$0x0] =	vst.idx.msk $0xffff, v8;
	s1 =	sor.u32 $0x300, s10  }
0xd4: {  	v18 =	vand.u32 $0x7F, v6;
	v7 =	vand.u32 $0xFFFFFC00, v13;
	v13 =	vor.u32 $0x300, v2;
	[tilespmem:v16+s24+$0x0] =	vst.idx.msk $0xffff, v14;
	v8 =	vld [tilespmem:s1+$0x1000];
	s1 =	smov.u32 s13;
	s13 =	smov.u32 s16  }
0xd5: {  	v7 =	vor.u32 v18, v7;
	v14 =	vld [tilespmem:s15+$0x0];
	[tilespmem:v10+s24+$0x0] =	vst.idx.msk $0xffff, v9  }
0xd6: {  	v10 =	vor.u32 $0x180, v5;
	v9 =	vld [tilespmem:s8+$0x180];
	v6 =	vmov v19  }
0xd7: {  	v16 =	vor.u32 $0x300, v3;
	[tilespmem:v12+s24+$0x0] =	vst.idx.msk $0xffff, v11;
	v11 =	vld [tilespmem:s7+$0x1000]  }
0xd8: {  	v19 =	vor.u32 $0x80, v12;
	v18 =	vld [tilespmem:s4+$0x80];
	[tilespmem:v17+s24+$0x0] =	vst.idx.msk $0xffff, v15  }
0xd9: {  	s18 =	sadd.s32 $0x20, s18;
	v20 =	vor.u32 $0x200, v4;
	s7 =	sor.u32 $0x380, s10;
	v15 =	vld [tilespmem:s14+$0x200];
	[tilespmem:v13+s24+$0x0] =	vst.idx.msk $0xffff, v8  }
0xda: {  	s6 =	sand.u32 $0x60, s18;
	[tilespmem:v7+s24+$0x0] =	vst.idx.msk $0xffff, v14;
	v8 =	vld [tilespmem:s7+$0x1000];
	v14 =	vor.u32 $0x380, v2;
	v2 =	vmov v4;
	v4 =	vmov v12  }
0xdb: {  	v22 =	vor.u32 $0x80, v7;
	s10 =	sand.u32 $0x780, s18;
	s7 =	sor.u32 $0x10, s6;
	v21 =	vld [tilespmem:s15+$0x80];
	[tilespmem:v10+s24+$0x0] =	vst.idx.msk $0xffff, v9  }
0xdc: {  	s3 =	sadd.s32 $0x2, s3;
	s10 =	sor.u32 s7, s10;
	v10 =	vor.u32 $0x200, v5;
	v9 =	vld [tilespmem:s8+$0x200];
	[tilespmem:v16+s24+$0x0] =	vst.idx.msk $0xffff, v11  }
0xdd: {  	p0 =	slt.u32 s3, $0x7E;
	v17 =	vld [tilespmem:s10+$0x800];
	[tilespmem:v19+s24+$0x0] =	vst.idx.msk $0xffff, v18  }
.Ltmp4:
0xde: {  	v12 =	vor.u32 $0x380, v3;
	v3 =	vmov v5;
	v5 =	vmov v7;
	[tilespmem:v20+s24+$0x0] =	vst.idx.msk $0xffff, v15;
	v11 =	vld [tilespmem:s9+$0x1000];
	(pc) =	sbr.rel @p0 .LBB2_10-.Ltmp4, $4  }
0xdf: {  	v15 =	vor.u32 $0x100, v4;
	v13 =	vld [tilespmem:s4+$0x100];
	[tilespmem:v14+s24+$0x0] =	vst.idx.msk $0xffff, v8  }
0xe0: {  	s17 =	sadd.s32 $0x1, s17;
	s16 =	sadd.s32 $0x100, s16;
	v7 =	vor.u32 $0x280, v2;
	[tilespmem:v22+s24+$0x0] =	vst.idx.msk $0xffff, v21;
	v8 =	vld [tilespmem:s14+$0x280];
	s14 =	smov.u32 s4  }
0xe1: {  	v16 =	vor.u32 $0x100, v5;
	s9 =	sand.u32 $0x3, s17;
	s4 =	sand.u32 $0x3C00, s16;
	v14 =	vld [tilespmem:s15+$0x100];
	[tilespmem:v10+s24+$0x0] =	vst.idx.msk $0xffff, v9  }
0xe2: {  	s5 =	sadd.s32 $0x20, s5;
	s9 =	sshll.u32 s9, $0x5;
	s10 =	sadd.s32 $0x1000, s4;
	v10 =	vor.u32 $0x280, v3;
	v18 =	vshll.u32 v17, $0x3;
	v9 =	vld [tilespmem:s8+$0x280]  }
0xe3: {  	s4 =	sor.u32 s7, s10;
	v17 =	vand.u32 $0x7F, v17;
	v18 =	vand.u32 $0xFFFFFC00, v18;
	v19 =	vshll.u32 v6, $0x3  }
0xe4: {  	s3 =	sor.u32 s6, s10;
	v6 =	vand.u32 $0x7F, v6;
	v20 =	vld [tilespmem:s4+$0x0];
	v17 =	vor.u32 v17, v18;
	v18 =	vand.u32 $0xFFFFFC00, v19  }
0xe5: {  	v19 =	vld [tilespmem:s3+$0x0];
	v6 =	vor.u32 v6, v18;
	_ =	sdelay $0x3  }
0xe6: {  	[tilespmem:v17+s24+$0x0] =	vst.idx.msk $0xffff, v20  }
0xe7: {  	v20 =	vor.u32 $0x80, v17;
	v18 =	vld [tilespmem:s4+$0x80];
	[tilespmem:v6+s24+$0x0] =	vst.idx.msk $0xffff, v19  }
0xe8: {  	v21 =	vor.u32 $0x80, v6;
	v19 =	vld [tilespmem:s3+$0x80];
	_ =	sdelay $0x3  }
0xe9: {  	[tilespmem:v20+s24+$0x0] =	vst.idx.msk $0xffff, v18  }
0xea: {  	v20 =	vor.u32 $0x100, v17;
	v18 =	vld [tilespmem:s4+$0x100];
	[tilespmem:v21+s24+$0x0] =	vst.idx.msk $0xffff, v19  }
0xeb: {  	v61 =	vor.u32 $0x100, v6;
	v19 =	vld [tilespmem:s3+$0x100];
	_ =	sdelay $0x1  }
0xec: {  	[tilespmem:v15+s24+$0x0] =	vst.idx.msk $0xffff, v13  }
0xed: {  	v15 =	vor.u32 $0x180, v4;
	v13 =	vld [tilespmem:s14+$0x180];
	[tilespmem:v16+s24+$0x0] =	vst.idx.msk $0xffff, v14  }
0xee: {  	v16 =	vor.u32 $0x180, v5;
	v14 =	vld [tilespmem:s15+$0x180];
	[tilespmem:v20+s24+$0x0] =	vst.idx.msk $0xffff, v18  }
0xef: {  	v20 =	vor.u32 $0x180, v17;
	v18 =	vld [tilespmem:s4+$0x180];
	[tilespmem:v61+s24+$0x0] =	vst.idx.msk $0xffff, v19  }
0xf0: {  	v62 =	vor.u32 $0x180, v6;
	v19 =	vld [tilespmem:s3+$0x180];
	_ =	sdelay $0x1  }
0xf1: {  	[tilespmem:v15+s24+$0x0] =	vst.idx.msk $0xffff, v13  }
0xf2: {  	v15 =	vor.u32 $0x200, v4;
	v13 =	vld [tilespmem:s14+$0x200];
	[tilespmem:v16+s24+$0x0] =	vst.idx.msk $0xffff, v14  }
0xf3: {  	v16 =	vor.u32 $0x200, v5;
	v14 =	vld [tilespmem:s15+$0x200];
	[tilespmem:v20+s24+$0x0] =	vst.idx.msk $0xffff, v18  }
0xf4: {  	v20 =	vor.u32 $0x200, v17;
	v18 =	vld [tilespmem:s4+$0x200];
	[tilespmem:v62+s24+$0x0] =	vst.idx.msk $0xffff, v19  }
0xf5: {  	v63 =	vor.u32 $0x200, v6;
	v19 =	vld [tilespmem:s3+$0x200]  }
0xf6: {  	[tilespmem:v12+s24+$0x0] =	vst.idx.msk $0xffff, v11  }
0xf7: {  	[tilespmem:v15+s24+$0x0] =	vst.idx.msk $0xffff, v13  }
0xf8: {  	v12 =	vor.u32 $0x280, v4;
	s5 =	sadd.s32 $0x1, s17;
	v11 =	vld [tilespmem:s14+$0x280];
	[tilespmem:v16+s24+$0x0] =	vst.idx.msk $0xffff, v14  }
0xf9: {  	s1 =	sadd.s32 s9, s1;
	s8 =	sand.u32 $0x3, s5;
	v14 =	vor.u32 $0x280, v5;
	v13 =	vld [tilespmem:s15+$0x280];
	[tilespmem:v20+s24+$0x0] =	vst.idx.msk $0xffff, v18  }
0xfa: {  	s7 =	sadd.s32 $0x10, s1;
	s9 =	sadd.s32 $0x1, s5;
	s6 =	sshll.u32 s8, $0x5;
	v16 =	vor.u32 $0x280, v17;
	v15 =	vld [tilespmem:s4+$0x280];
	[tilespmem:v63+s24+$0x0] =	vst.idx.msk $0xffff, v19  }
0xfb: {  	[tilespmem:v7+s24+$0x0] =	vst.idx.msk $0xffff, v8;
	s10 =	sor.u32 $0x300, s7;
	s6 =	sadd.s32 s6, s13;
	v8 =	vor.u32 $0x280, v6;
	s4 =	sand.u32 $0x3, s9;
	v7 =	vld [tilespmem:s3+$0x280]  }
0xfc: {  	[tilespmem:v10+s24+$0x0] =	vst.idx.msk $0xffff, v9;
	s14 =	sor.u32 $0x300, s1;
	s15 =	sadd.s32 $0x10, s6;
	v18 =	vld [tilespmem:s10+$0x1000];
	v19 =	vor.u32 $0x300, v2;
	s4 =	sshll.u32 s4, $0x5  }
0xfd: {  	v10 =	vor.u32 $0x300, v3;
	v9 =	vld [tilespmem:s14+$0x1000];
	s17 =	sor.u32 $0x300, s15;
	[tilespmem:v12+s24+$0x0] =	vst.idx.msk $0xffff, v11;
	s4 =	sadd.s32 s4, s16  }
0xfe: {  	s8 =	sor.u32 $0x300, s6;
	v12 =	vor.u32 $0x300, v4;
	v11 =	vld [tilespmem:s17+$0x1000];
	[tilespmem:v14+s24+$0x0] =	vst.idx.msk $0xffff, v13;
	s18 =	sadd.s32 $0x10, s4  }
0xff: {  	v14 =	vor.u32 $0x300, v5;
	v13 =	vld [tilespmem:s8+$0x1000];
	s9 =	sor.u32 $0x300, s18;
	[tilespmem:v16+s24+$0x0] =	vst.idx.msk $0xffff, v15  }
0x100: {  	s10 =	sor.u32 $0x300, s4;
	v16 =	vor.u32 $0x300, v17;
	v15 =	vld [tilespmem:s9+$0x1000];
	[tilespmem:v8+s24+$0x0] =	vst.idx.msk $0xffff, v7  }
0x101: {  	s7 =	sor.u32 $0x380, s7;
	[tilespmem:v19+s24+$0x0] =	vst.idx.msk $0xffff, v18;
	v8 =	vor.u32 $0x300, v6;
	v7 =	vld [tilespmem:s10+$0x1000]  }
0x102: {  	s1 =	sor.u32 $0x380, s1;
	[tilespmem:v10+s24+$0x0] =	vst.idx.msk $0xffff, v9;
	v2 =	vor.u32 $0x380, v2;
	v18 =	vld [tilespmem:s7+$0x1000]  }
0x103: {  	v3 =	vor.u32 $0x380, v3;
	s13 =	sor.u32 $0x380, s15;
	v9 =	vld [tilespmem:s1+$0x1000];
	[tilespmem:v12+s24+$0x0] =	vst.idx.msk $0xffff, v11  }
0x104: {  	s14 =	sor.u32 $0x380, s6;
	v4 =	vor.u32 $0x380, v4;
	v10 =	vld [tilespmem:s13+$0x1000];
	[tilespmem:v14+s24+$0x0] =	vst.idx.msk $0xffff, v13  }
0x105: {  	v5 =	vor.u32 $0x380, v5;
	v11 =	vld [tilespmem:s14+$0x1000];
	s15 =	sor.u32 $0x380, s18;
	[tilespmem:v16+s24+$0x0] =	vst.idx.msk $0xffff, v15  }
0x106: {  	v13 =	vor.u32 $0x380, v17;
	s16 =	sor.u32 $0x380, s4;
	v12 =	vld [tilespmem:s15+$0x1000];
	[tilespmem:v8+s24+$0x0] =	vst.idx.msk $0xffff, v7  }
0x107: {  	v6 =	vor.u32 $0x380, v6;
	[tilespmem:v2+s24+$0x0] =	vst.idx.msk $0xffff, v18;
	v2 =	vld [tilespmem:s16+$0x1000]  }
0x108: {  	[tilespmem:v3+s24+$0x0] =	vst.idx.msk $0xffff, v9  }
0x109: {  	[tilespmem:v4+s24+$0x0] =	vst.idx.msk $0xffff, v10  }
0x10a: {  	[tilespmem:v5+s24+$0x0] =	vst.idx.msk $0xffff, v11  }
0x10b: {  	[tilespmem:v13+s24+$0x0] =	vst.idx.msk $0xffff, v12  }
0x10c: {  	[tilespmem:v6+s24+$0x0] =	vst.idx.msk $0xffff, v2  }
0x10d: {  	s5 =	simm.s32 $0x0;
	s17 =	rddreg [dreg:$0x9]  }
0x10e: {  	[hbm4b:s17+s5] =	stream.linear.scatter [tilespmem:s24], [sflag:$0x5], $0x4000, $0x38;
	[tilespmem:$0x1A900] =	vst v63  }
0x10f: {  	s18 =	sand.u32 $0x60, s5;
	_ =	swait.ge [sflag:s25], $0x4000  }
0x110: {  	s6 =	sor.u32 $0x10, s18;
	s7 =	sand.u32 $0x780, s5;
	[sflag:s25] =	ssyncset.done $0x0  }
0x111: {  	s4 =	sor.u32 s6, s7;
	[sflag:s25] =	ssyncadd.s32 $0xFFFFC000  }
0x112: {  	v2 =	vld [tilespmem:s4+$0x800]  }
0x113: {  	s8 =	simm.s32 $0x800  }
0x114: {  	v3 =	vld [tilespmem:s8+$0x0];
	_ =	sdelay $0x1  }
0x115: {  	s9 =	sand.u32 $0x3C00, s5  }
0x116: {  	s4 =	sadd.s32 $0x5000, s9;
	v4 =	vshll.u32 v2, $0x3  }
0x117: {  	s7 =	sor.u32 s6, s4;
	v2 =	vand.u32 $0x7F, v2;
	v4 =	vand.u32 $0xFFFFFC00, v4  }
0x118: {  	v5 =	vld [tilespmem:s7+$0x0];
	v8 =	vor.u32 v2, v4;
	v2 =	vshll.u32 v3, $0x3  }
0x119: {  	s6 =	sor.u32 s18, s4;
	v3 =	vand.u32 $0x7F, v3;
	v2 =	vand.u32 $0xFFFFFC00, v2  }
0x11a: {  	v4 =	vld [tilespmem:s6+$0x0];
	v7 =	vor.u32 v3, v2;
	_ =	sdelay $0x2  }
0x11b: {  	[tilespmem:v8+s26+$0x0] =	vst.idx.msk $0xffff, v5  }
0x11c: {  	s10 =	simm.s32 $0x20;
	v3 =	vor.u32 $0x80, v8;
	v2 =	vld [tilespmem:s7+$0x80]  }
0x11d: {  	s13 =	sand.u32 $0x60, s10;
	[tilespmem:v7+s26+$0x0] =	vst.idx.msk $0xffff, v4  }
0x11e: {  	s1 =	sand.u32 $0x780, s10;
	s14 =	sor.u32 $0x10, s13;
	v5 =	vor.u32 $0x80, v7;
	v4 =	vld [tilespmem:s6+$0x80]  }
0x11f: {  	s1 =	sor.u32 s14, s1  }
0x120: {  	s15 =	simm.s32 $0x820;
	v6 =	vld [tilespmem:s1+$0x800]  }
0x121: {  	v9 =	vld [tilespmem:s15+$0x0];
	[tilespmem:v3+s26+$0x0] =	vst.idx.msk $0xffff, v2  }
0x122: {  	v10 =	vor.u32 $0x100, v8;
	v3 =	vld [tilespmem:s7+$0x100]  }
0x123: {  	s1 =	simm.s32 $0x100;
	[tilespmem:v5+s26+$0x0] =	vst.idx.msk $0xffff, v4  }
0x124: {  	s16 =	sand.u32 $0x3C00, s1;
	v5 =	vor.u32 $0x100, v7;
	v4 =	vld [tilespmem:s6+$0x100]  }
0x125: {  	s8 =	sadd.s32 $0x5000, s16;
	v2 =	vshll.u32 v6, $0x3  }
0x126: {  	s3 =	sor.u32 s14, s8;
	v6 =	vand.u32 $0x7F, v6;
	v2 =	vand.u32 $0xFFFFFC00, v2  }
0x127: {  	v11 =	vld [tilespmem:s3+$0x0];
	v2 =	vor.u32 v6, v2;
	[tilespmem:v10+s26+$0x0] =	vst.idx.msk $0xffff, v3;
	v3 =	vshll.u32 v9, $0x3  }
0x128: {  	s4 =	sor.u32 s13, s8;
	v10 =	vor.u32 $0x180, v8;
	v9 =	vand.u32 $0x7F, v9;
	v6 =	vld [tilespmem:s7+$0x180];
	v3 =	vand.u32 $0xFFFFFC00, v3  }
0x129: {  	[tilespmem:v5+s26+$0x0] =	vst.idx.msk $0xffff, v4;
	v4 =	vld [tilespmem:s4+$0x0];
	v3 =	vor.u32 v9, v3;
	_ =	sdelay $0x1  }
0x12a: {  	v9 =	vor.u32 $0x180, v7;
	v5 =	vld [tilespmem:s6+$0x180]  }
0x12b: {  	s17 =	simm.s32 $0x40;
	[tilespmem:v2+s26+$0x0] =	vst.idx.msk $0xffff, v11  }
0x12c: {  	s9 =	sand.u32 $0x60, s17;
	v12 =	vor.u32 $0x80, v2;
	v11 =	vld [tilespmem:s3+$0x80];
	[tilespmem:v10+s26+$0x0] =	vst.idx.msk $0xffff, v6  }
0x12d: {  	s18 =	sor.u32 $0x10, s9;
	s8 =	sand.u32 $0x780, s17;
	v10 =	vor.u32 $0x200, v8;
	v6 =	vld [tilespmem:s7+$0x200];
	[tilespmem:v3+s26+$0x0] =	vst.idx.msk $0xffff, v4  }
0x12e: {  	s8 =	sor.u32 s18, s8;
	v13 =	vor.u32 $0x80, v3;
	v4 =	vld [tilespmem:s4+$0x80]  }
0x12f: {  	v14 =	vld [tilespmem:s8+$0x800];
	[tilespmem:v9+s26+$0x0] =	vst.idx.msk $0xffff, v5  }
0x130: {  	s14 =	simm.s32 $0x840;
	v9 =	vor.u32 $0x200, v7;
	v5 =	vld [tilespmem:s6+$0x200]  }
0x131: {  	v15 =	vld [tilespmem:s14+$0x0];
	[tilespmem:v12+s26+$0x0] =	vst.idx.msk $0xffff, v11  }
0x132: {  	v11 =	vor.u32 $0x100, v2;
	[tilespmem:v10+s26+$0x0] =	vst.idx.msk $0xffff, v6;
	v10 =	vld [tilespmem:s3+$0x100]  }
0x133: {  	s13 =	simm.s32 $0x200;
	[tilespmem:v13+s26+$0x0] =	vst.idx.msk $0xffff, v4;
	v12 =	vld [tilespmem:s7+$0x280];
	v13 =	vor.u32 $0x280, v8  }
0x134: {  	s5 =	sand.u32 $0x3, s5;
	s15 =	sand.u32 $0x3C00, s13  }
0x135: {  	s5 =	sshll.u32 s5, $0x5;
	s7 =	sadd.s32 $0x5000, s15;
	v4 =	vshll.u32 v14, $0x3;
	v16 =	vld [tilespmem:s4+$0x100];
	[tilespmem:v9+s26+$0x0] =	vst.idx.msk $0xffff, v5;
	v5 =	vor.u32 $0x100, v3  }
0x136: {  	s5 =	sadd.s32 $0x0, s5;
	v17 =	vor.u32 $0x280, v7;
	v14 =	vand.u32 $0x7F, v14;
	s14 =	sor.u32 s18, s7;
	v4 =	vand.u32 $0xFFFFFC00, v4;
	v9 =	vld [tilespmem:s6+$0x280]  }
0x137: {  	s17 =	sadd.s32 $0x10, s5;
	v18 =	vld [tilespmem:s14+$0x0];
	v4 =	vor.u32 v14, v4;
	[tilespmem:v11+s26+$0x0] =	vst.idx.msk $0xffff, v10  }
0x138: {  	s18 =	sor.u32 $0x300, s17;
	v14 =	vor.u32 $0x180, v2;
	v10 =	vshll.u32 v15, $0x3;
	v11 =	vld [tilespmem:s3+$0x180];
	[tilespmem:v13+s26+$0x0] =	vst.idx.msk $0xffff, v12  }
0x139: {  	s15 =	sor.u32 s9, s7;
	v12 =	vand.u32 $0x7F, v15;
	v10 =	vand.u32 $0xFFFFFC00, v10;
	v15 =	vor.u32 $0x300, v8;
	v13 =	vld [tilespmem:s18+$0x5000]  }
0x13a: {  	s16 =	simm.s32 $0x860;
	[tilespmem:v5+s26+$0x0] =	vst.idx.msk $0xffff, v16;
	v16 =	vld [tilespmem:s15+$0x0];
	v5 =	vor.u32 v12, v10  }
0x13b: {  	v6 =	vld [tilespmem:s16+$0x0];
	[tilespmem:v17+s26+$0x0] =	vst.idx.msk $0xffff, v9  }
0x13c: {  	s10 =	sor.u32 $0x300, s5;
	v10 =	vor.u32 $0x180, v3;
	v9 =	vld [tilespmem:s4+$0x180];
	[tilespmem:v4+s26+$0x0] =	vst.idx.msk $0xffff, v18  }
0x13d: {  	v17 =	vor.u32 $0x300, v7;
	v12 =	vld [tilespmem:s10+$0x5000];
	[tilespmem:v14+s26+$0x0] =	vst.idx.msk $0xffff, v11  }
0x13e: {  	v18 =	vld [tilespmem:s14+$0x80];
	v11 =	vor.u32 $0x80, v4;
	[tilespmem:v15+s26+$0x0] =	vst.idx.msk $0xffff, v13  }
0x13f: {  	s18 =	simm.s32 $0x60;
	v14 =	vld [tilespmem:s3+$0x200];
	v13 =	vor.u32 $0x200, v2;
	[tilespmem:v5+s26+$0x0] =	vst.idx.msk $0xffff, v16  }
0x140: {  	s16 =	sor.u32 $0x380, s17;
	s6 =	sand.u32 $0x60, s18;
	v19 =	vor.u32 $0x80, v5;
	v15 =	vld [tilespmem:s15+$0x80]  }
0x141: {  	v20 =	vor.u32 $0x380, v8;
	s17 =	sand.u32 $0x780, s18;
	s7 =	sor.u32 $0x10, s6;
	v16 =	vld [tilespmem:s16+$0x5000];
	[tilespmem:v10+s26+$0x0] =	vst.idx.msk $0xffff, v9  }
0x142: {  	s8 =	sor.u32 s7, s17;
	v10 =	vor.u32 $0x200, v3;
	v9 =	vld [tilespmem:s4+$0x200];
	[tilespmem:v17+s26+$0x0] =	vst.idx.msk $0xffff, v12  }
0x143: {  	s5 =	sor.u32 $0x380, s5;
	v17 =	vld [tilespmem:s8+$0x800];
	[tilespmem:v11+s26+$0x0] =	vst.idx.msk $0xffff, v18  }
0x144: {  	v12 =	vor.u32 $0x380, v7;
	v11 =	vld [tilespmem:s5+$0x5000];
	[tilespmem:v13+s26+$0x0] =	vst.idx.msk $0xffff, v14  }
0x145: {  	s17 =	simm.s32 $0x1;
	v13 =	vld [tilespmem:s14+$0x100];
	[tilespmem:v19+s26+$0x0] =	vst.idx.msk $0xffff, v15;
	v15 =	vor.u32 $0x100, v4  }
0x146: {  	s9 =	sand.u32 $0x3, s17;
	s16 =	simm.s32 $0x300;
	v7 =	vor.u32 $0x280, v2;
	v8 =	vld [tilespmem:s3+$0x280];
	[tilespmem:v20+s26+$0x0] =	vst.idx.msk $0xffff, v16  }
0x147: {  	s9 =	sshll.u32 s9, $0x5;
	s8 =	sand.u32 $0x3C00, s16;
	v16 =	vor.u32 $0x100, v5;
	v14 =	vld [tilespmem:s15+$0x100];
	[tilespmem:v10+s26+$0x0] =	vst.idx.msk $0xffff, v9  }
0x148: {  	s10 =	sadd.s32 $0x5000, s8;
	s5 =	simm.s32 $0x880;
	s3 =	simm.s32 $0x6;
	v18 =	vshll.u32 v17, $0x3;
	v10 =	vor.u32 $0x280, v3;
	v9 =	vld [tilespmem:s4+$0x280]  }
.LBB2_12:
0x149: {  	v19 =	vld [tilespmem:s5+$0x0];
	s6 =	sor.u32 s6, s10;
	s4 =	sor.u32 s7, s10;
	v17 =	vand.u32 $0x7F, v17;
	v18 =	vand.u32 $0xFFFFFC00, v18;
	s1 =	sadd.s32 s9, s1;
	[tilespmem:v12+s26+$0x0] =	vst.idx.msk $0xffff, v11  }
0x14a: {  	v11 =	vld [tilespmem:s4+$0x0];
	v12 =	vor.u32 v17, v18;
	[tilespmem:v15+s26+$0x0] =	vst.idx.msk $0xffff, v13;
	s7 =	sor.u32 $0x300, s1;
	s9 =	sor.u32 $0x380, s1;
	s10 =	sadd.s32 $0x10, s1  }
0x14b: {  	s8 =	smov.u32 s15;
	v13 =	vshll.u32 v6, $0x3;
	v17 =	vor.u32 $0x180, v4;
	s15 =	smov.u32 s6;
	v15 =	vld [tilespmem:s14+$0x180];
	[tilespmem:v7+s26+$0x0] =	vst.idx.msk $0xffff, v8;
	s1 =	sor.u32 $0x300, s10  }
0x14c: {  	v18 =	vand.u32 $0x7F, v6;
	v7 =	vand.u32 $0xFFFFFC00, v13;
	v13 =	vor.u32 $0x300, v2;
	[tilespmem:v16+s26+$0x0] =	vst.idx.msk $0xffff, v14;
	v8 =	vld [tilespmem:s1+$0x5000];
	s1 =	smov.u32 s13;
	s13 =	smov.u32 s16  }
0x14d: {  	v7 =	vor.u32 v18, v7;
	v14 =	vld [tilespmem:s15+$0x0];
	[tilespmem:v10+s26+$0x0] =	vst.idx.msk $0xffff, v9  }
0x14e: {  	v10 =	vor.u32 $0x180, v5;
	v9 =	vld [tilespmem:s8+$0x180];
	v6 =	vmov v19  }
0x14f: {  	v16 =	vor.u32 $0x300, v3;
	[tilespmem:v12+s26+$0x0] =	vst.idx.msk $0xffff, v11;
	v11 =	vld [tilespmem:s7+$0x5000]  }
0x150: {  	v19 =	vor.u32 $0x80, v12;
	v18 =	vld [tilespmem:s4+$0x80];
	[tilespmem:v17+s26+$0x0] =	vst.idx.msk $0xffff, v15  }
0x151: {  	s18 =	sadd.s32 $0x20, s18;
	v20 =	vor.u32 $0x200, v4;
	s7 =	sor.u32 $0x380, s10;
	v15 =	vld [tilespmem:s14+$0x200];
	[tilespmem:v13+s26+$0x0] =	vst.idx.msk $0xffff, v8  }
0x152: {  	s6 =	sand.u32 $0x60, s18;
	[tilespmem:v7+s26+$0x0] =	vst.idx.msk $0xffff, v14;
	v8 =	vld [tilespmem:s7+$0x5000];
	v14 =	vor.u32 $0x380, v2;
	v2 =	vmov v4;
	v4 =	vmov v12  }
0x153: {  	v22 =	vor.u32 $0x80, v7;
	s10 =	sand.u32 $0x780, s18;
	s7 =	sor.u32 $0x10, s6;
	v21 =	vld [tilespmem:s15+$0x80];
	[tilespmem:v10+s26+$0x0] =	vst.idx.msk $0xffff, v9  }
0x154: {  	s3 =	sadd.s32 $0x2, s3;
	s10 =	sor.u32 s7, s10;
	v10 =	vor.u32 $0x200, v5;
	v9 =	vld [tilespmem:s8+$0x200];
	[tilespmem:v16+s26+$0x0] =	vst.idx.msk $0xffff, v11  }
0x155: {  	p0 =	slt.u32 s3, $0x7E;
	v17 =	vld [tilespmem:s10+$0x800];
	[tilespmem:v19+s26+$0x0] =	vst.idx.msk $0xffff, v18  }
.Ltmp5:
0x156: {  	v12 =	vor.u32 $0x380, v3;
	v3 =	vmov v5;
	v5 =	vmov v7;
	[tilespmem:v20+s26+$0x0] =	vst.idx.msk $0xffff, v15;
	v11 =	vld [tilespmem:s9+$0x5000];
	(pc) =	sbr.rel @p0 .LBB2_12-.Ltmp5, $4  }
0x157: {  	v15 =	vor.u32 $0x100, v4;
	v13 =	vld [tilespmem:s4+$0x100];
	[tilespmem:v14+s26+$0x0] =	vst.idx.msk $0xffff, v8  }
0x158: {  	s17 =	sadd.s32 $0x1, s17;
	s16 =	sadd.s32 $0x100, s16;
	v7 =	vor.u32 $0x280, v2;
	[tilespmem:v22+s26+$0x0] =	vst.idx.msk $0xffff, v21;
	v8 =	vld [tilespmem:s14+$0x280];
	s14 =	smov.u32 s4  }
0x159: {  	v16 =	vor.u32 $0x100, v5;
	s9 =	sand.u32 $0x3, s17;
	s4 =	sand.u32 $0x3C00, s16;
	v14 =	vld [tilespmem:s15+$0x100];
	[tilespmem:v10+s26+$0x0] =	vst.idx.msk $0xffff, v9  }
0x15a: {  	s5 =	sadd.s32 $0x20, s5;
	s9 =	sshll.u32 s9, $0x5;
	s10 =	sadd.s32 $0x5000, s4;
	v10 =	vor.u32 $0x280, v3;
	v18 =	vshll.u32 v17, $0x3;
	v9 =	vld [tilespmem:s8+$0x280]  }
0x15b: {  	s4 =	sor.u32 s7, s10;
	v17 =	vand.u32 $0x7F, v17;
	v18 =	vand.u32 $0xFFFFFC00, v18;
	v19 =	vshll.u32 v6, $0x3  }
0x15c: {  	s3 =	sor.u32 s6, s10;
	v6 =	vand.u32 $0x7F, v6;
	v20 =	vld [tilespmem:s4+$0x0];
	v17 =	vor.u32 v17, v18;
	v18 =	vand.u32 $0xFFFFFC00, v19  }
0x15d: {  	v19 =	vld [tilespmem:s3+$0x0];
	v6 =	vor.u32 v6, v18;
	_ =	sdelay $0x3  }
0x15e: {  	[tilespmem:v17+s26+$0x0] =	vst.idx.msk $0xffff, v20  }
0x15f: {  	v20 =	vor.u32 $0x80, v17;
	v18 =	vld [tilespmem:s4+$0x80];
	[tilespmem:v6+s26+$0x0] =	vst.idx.msk $0xffff, v19  }
0x160: {  	v21 =	vor.u32 $0x80, v6;
	v19 =	vld [tilespmem:s3+$0x80];
	_ =	sdelay $0x3  }
0x161: {  	[tilespmem:v20+s26+$0x0] =	vst.idx.msk $0xffff, v18  }
0x162: {  	v20 =	vor.u32 $0x100, v17;
	v18 =	vld [tilespmem:s4+$0x100];
	[tilespmem:v21+s26+$0x0] =	vst.idx.msk $0xffff, v19  }
0x163: {  	v61 =	vor.u32 $0x100, v6;
	v19 =	vld [tilespmem:s3+$0x100];
	_ =	sdelay $0x1  }
0x164: {  	[tilespmem:v15+s26+$0x0] =	vst.idx.msk $0xffff, v13  }
0x165: {  	v15 =	vor.u32 $0x180, v4;
	v13 =	vld [tilespmem:s14+$0x180];
	[tilespmem:v16+s26+$0x0] =	vst.idx.msk $0xffff, v14  }
0x166: {  	v16 =	vor.u32 $0x180, v5;
	v14 =	vld [tilespmem:s15+$0x180];
	[tilespmem:v20+s26+$0x0] =	vst.idx.msk $0xffff, v18  }
0x167: {  	v20 =	vor.u32 $0x180, v17;
	v18 =	vld [tilespmem:s4+$0x180];
	[tilespmem:v61+s26+$0x0] =	vst.idx.msk $0xffff, v19  }
0x168: {  	v62 =	vor.u32 $0x180, v6;
	v19 =	vld [tilespmem:s3+$0x180];
	_ =	sdelay $0x1  }
0x169: {  	[tilespmem:v15+s26+$0x0] =	vst.idx.msk $0xffff, v13  }
0x16a: {  	v15 =	vor.u32 $0x200, v4;
	v13 =	vld [tilespmem:s14+$0x200];
	[tilespmem:v16+s26+$0x0] =	vst.idx.msk $0xffff, v14  }
0x16b: {  	v16 =	vor.u32 $0x200, v5;
	v14 =	vld [tilespmem:s15+$0x200];
	[tilespmem:v20+s26+$0x0] =	vst.idx.msk $0xffff, v18  }
0x16c: {  	v20 =	vor.u32 $0x200, v17;
	v18 =	vld [tilespmem:s4+$0x200];
	[tilespmem:v62+s26+$0x0] =	vst.idx.msk $0xffff, v19  }
0x16d: {  	v63 =	vor.u32 $0x200, v6;
	v19 =	vld [tilespmem:s3+$0x200]  }
0x16e: {  	[tilespmem:v12+s26+$0x0] =	vst.idx.msk $0xffff, v11  }
0x16f: {  	[tilespmem:v15+s26+$0x0] =	vst.idx.msk $0xffff, v13  }
0x170: {  	v12 =	vor.u32 $0x280, v4;
	s5 =	sadd.s32 $0x1, s17;
	v11 =	vld [tilespmem:s14+$0x280];
	[tilespmem:v16+s26+$0x0] =	vst.idx.msk $0xffff, v14  }
0x171: {  	s1 =	sadd.s32 s9, s1;
	s8 =	sand.u32 $0x3, s5;
	v14 =	vor.u32 $0x280, v5;
	v13 =	vld [tilespmem:s15+$0x280];
	[tilespmem:v20+s26+$0x0] =	vst.idx.msk $0xffff, v18  }
0x172: {  	s7 =	sadd.s32 $0x10, s1;
	s9 =	sadd.s32 $0x1, s5;
	s6 =	sshll.u32 s8, $0x5;
	v16 =	vor.u32 $0x280, v17;
	v15 =	vld [tilespmem:s4+$0x280];
	[tilespmem:v63+s26+$0x0] =	vst.idx.msk $0xffff, v19  }
0x173: {  	[tilespmem:v7+s26+$0x0] =	vst.idx.msk $0xffff, v8;
	s10 =	sor.u32 $0x300, s7;
	s6 =	sadd.s32 s6, s13;
	v8 =	vor.u32 $0x280, v6;
	s4 =	sand.u32 $0x3, s9;
	v7 =	vld [tilespmem:s3+$0x280]  }
0x174: {  	[tilespmem:v10+s26+$0x0] =	vst.idx.msk $0xffff, v9;
	s14 =	sor.u32 $0x300, s1;
	s15 =	sadd.s32 $0x10, s6;
	v18 =	vld [tilespmem:s10+$0x5000];
	v19 =	vor.u32 $0x300, v2;
	s4 =	sshll.u32 s4, $0x5  }
0x175: {  	v10 =	vor.u32 $0x300, v3;
	v9 =	vld [tilespmem:s14+$0x5000];
	s17 =	sor.u32 $0x300, s15;
	[tilespmem:v12+s26+$0x0] =	vst.idx.msk $0xffff, v11;
	s4 =	sadd.s32 s4, s16  }
0x176: {  	s8 =	sor.u32 $0x300, s6;
	v12 =	vor.u32 $0x300, v4;
	v11 =	vld [tilespmem:s17+$0x5000];
	[tilespmem:v14+s26+$0x0] =	vst.idx.msk $0xffff, v13;
	s18 =	sadd.s32 $0x10, s4  }
0x177: {  	v14 =	vor.u32 $0x300, v5;
	v13 =	vld [tilespmem:s8+$0x5000];
	s9 =	sor.u32 $0x300, s18;
	[tilespmem:v16+s26+$0x0] =	vst.idx.msk $0xffff, v15  }
0x178: {  	s10 =	sor.u32 $0x300, s4;
	v16 =	vor.u32 $0x300, v17;
	v15 =	vld [tilespmem:s9+$0x5000];
	[tilespmem:v8+s26+$0x0] =	vst.idx.msk $0xffff, v7  }
0x179: {  	s7 =	sor.u32 $0x380, s7;
	[tilespmem:v19+s26+$0x0] =	vst.idx.msk $0xffff, v18;
	v8 =	vor.u32 $0x300, v6;
	v7 =	vld [tilespmem:s10+$0x5000]  }
0x17a: {  	s1 =	sor.u32 $0x380, s1;
	[tilespmem:v10+s26+$0x0] =	vst.idx.msk $0xffff, v9;
	v2 =	vor.u32 $0x380, v2;
	v18 =	vld [tilespmem:s7+$0x5000]  }
0x17b: {  	v3 =	vor.u32 $0x380, v3;
	s13 =	sor.u32 $0x380, s15;
	v9 =	vld [tilespmem:s1+$0x5000];
	[tilespmem:v12+s26+$0x0] =	vst.idx.msk $0xffff, v11  }
0x17c: {  	s14 =	sor.u32 $0x380, s6;
	v4 =	vor.u32 $0x380, v4;
	v10 =	vld [tilespmem:s13+$0x5000];
	[tilespmem:v14+s26+$0x0] =	vst.idx.msk $0xffff, v13  }
0x17d: {  	v5 =	vor.u32 $0x380, v5;
	v11 =	vld [tilespmem:s14+$0x5000];
	s15 =	sor.u32 $0x380, s18;
	[tilespmem:v16+s26+$0x0] =	vst.idx.msk $0xffff, v15  }
0x17e: {  	v13 =	vor.u32 $0x380, v17;
	s16 =	sor.u32 $0x380, s4;
	v12 =	vld [tilespmem:s15+$0x5000];
	[tilespmem:v8+s26+$0x0] =	vst.idx.msk $0xffff, v7  }
0x17f: {  	v6 =	vor.u32 $0x380, v6;
	[tilespmem:v2+s26+$0x0] =	vst.idx.msk $0xffff, v18;
	v2 =	vld [tilespmem:s16+$0x5000]  }
0x180: {  	[tilespmem:v3+s26+$0x0] =	vst.idx.msk $0xffff, v9  }
0x181: {  	[tilespmem:v4+s26+$0x0] =	vst.idx.msk $0xffff, v10  }
0x182: {  	[tilespmem:v5+s26+$0x0] =	vst.idx.msk $0xffff, v11  }
0x183: {  	[tilespmem:v13+s26+$0x0] =	vst.idx.msk $0xffff, v12  }
0x184: {  	[tilespmem:v6+s26+$0x0] =	vst.idx.msk $0xffff, v2  }
0x185: {  	s5 =	simm.s32 $0x0;
	s17 =	rddreg [dreg:$0xa]  }
0x186: {  	[hbm4b:s17+s5] =	stream.linear.scatter [tilespmem:s26], [sflag:$0x6], $0x4000, $0x38;
	[tilespmem:$0x1A900] =	vst v63  }
0x187: {  	_ =	swait.ge [sflag:s28], $0x4000  }
0x188: {  	[sflag:s28] =	ssyncset.done $0x0  }
0x189: {  	[sflag:s28] =	ssyncadd.s32 $0xFFFFC000  }
0x18a: {  	s18 =	sand.u32 $0x60, s5;
	_ =	swait.ge [sflag:s29], $0x4000  }
0x18b: {  	s6 =	sor.u32 $0x10, s18;
	s7 =	sand.u32 $0x780, s5;
	[sflag:s29] =	ssyncset.done $0x0  }
0x18c: {  	s4 =	sor.u32 s6, s7;
	[sflag:s29] =	ssyncadd.s32 $0xFFFFC000  }
0x18d: {  	v2 =	vld [tilespmem:s4+$0x800]  }
0x18e: {  	s8 =	simm.s32 $0x800  }
0x18f: {  	v3 =	vld [tilespmem:s8+$0x0];
	_ =	sdelay $0x1  }
0x190: {  	s9 =	sand.u32 $0x3C00, s5  }
0x191: {  	s4 =	sadd.s32 $0x9000, s9;
	v4 =	vshll.u32 v2, $0x3  }
0x192: {  	s7 =	sor.u32 s6, s4;
	v2 =	vand.u32 $0x7F, v2;
	v4 =	vand.u32 $0xFFFFFC00, v4  }
0x193: {  	v5 =	vld [tilespmem:s7+$0x0];
	v8 =	vor.u32 v2, v4;
	v2 =	vshll.u32 v3, $0x3  }
0x194: {  	s6 =	sor.u32 s18, s4;
	v3 =	vand.u32 $0x7F, v3;
	v2 =	vand.u32 $0xFFFFFC00, v2  }
0x195: {  	v4 =	vld [tilespmem:s6+$0x0];
	v7 =	vor.u32 v3, v2;
	_ =	sdelay $0x2  }
0x196: {  	[tilespmem:v8+s24+$0x0] =	vst.idx.msk $0xffff, v5  }
0x197: {  	s10 =	simm.s32 $0x20;
	v3 =	vor.u32 $0x80, v8;
	v2 =	vld [tilespmem:s7+$0x80]  }
0x198: {  	s13 =	sand.u32 $0x60, s10;
	[tilespmem:v7+s24+$0x0] =	vst.idx.msk $0xffff, v4  }
0x199: {  	s1 =	sand.u32 $0x780, s10;
	s14 =	sor.u32 $0x10, s13;
	v5 =	vor.u32 $0x80, v7;
	v4 =	vld [tilespmem:s6+$0x80]  }
0x19a: {  	s1 =	sor.u32 s14, s1  }
0x19b: {  	s15 =	simm.s32 $0x820;
	v6 =	vld [tilespmem:s1+$0x800]  }
0x19c: {  	v9 =	vld [tilespmem:s15+$0x0];
	[tilespmem:v3+s24+$0x0] =	vst.idx.msk $0xffff, v2  }
0x19d: {  	v10 =	vor.u32 $0x100, v8;
	v3 =	vld [tilespmem:s7+$0x100]  }
0x19e: {  	s1 =	simm.s32 $0x100;
	[tilespmem:v5+s24+$0x0] =	vst.idx.msk $0xffff, v4  }
0x19f: {  	s16 =	sand.u32 $0x3C00, s1;
	v5 =	vor.u32 $0x100, v7;
	v4 =	vld [tilespmem:s6+$0x100]  }
0x1a0: {  	s8 =	sadd.s32 $0x9000, s16;
	v2 =	vshll.u32 v6, $0x3  }
0x1a1: {  	s3 =	sor.u32 s14, s8;
	v6 =	vand.u32 $0x7F, v6;
	v2 =	vand.u32 $0xFFFFFC00, v2  }
0x1a2: {  	v11 =	vld [tilespmem:s3+$0x0];
	v2 =	vor.u32 v6, v2;
	[tilespmem:v10+s24+$0x0] =	vst.idx.msk $0xffff, v3;
	v3 =	vshll.u32 v9, $0x3  }
0x1a3: {  	s4 =	sor.u32 s13, s8;
	v10 =	vor.u32 $0x180, v8;
	v9 =	vand.u32 $0x7F, v9;
	v6 =	vld [tilespmem:s7+$0x180];
	v3 =	vand.u32 $0xFFFFFC00, v3  }
0x1a4: {  	[tilespmem:v5+s24+$0x0] =	vst.idx.msk $0xffff, v4;
	v4 =	vld [tilespmem:s4+$0x0];
	v3 =	vor.u32 v9, v3;
	_ =	sdelay $0x1  }
0x1a5: {  	v9 =	vor.u32 $0x180, v7;
	v5 =	vld [tilespmem:s6+$0x180]  }
0x1a6: {  	s17 =	simm.s32 $0x40;
	[tilespmem:v2+s24+$0x0] =	vst.idx.msk $0xffff, v11  }
0x1a7: {  	s9 =	sand.u32 $0x60, s17;
	v12 =	vor.u32 $0x80, v2;
	v11 =	vld [tilespmem:s3+$0x80];
	[tilespmem:v10+s24+$0x0] =	vst.idx.msk $0xffff, v6  }
0x1a8: {  	s18 =	sor.u32 $0x10, s9;
	s8 =	sand.u32 $0x780, s17;
	v10 =	vor.u32 $0x200, v8;
	v6 =	vld [tilespmem:s7+$0x200];
	[tilespmem:v3+s24+$0x0] =	vst.idx.msk $0xffff, v4  }
0x1a9: {  	s8 =	sor.u32 s18, s8;
	v13 =	vor.u32 $0x80, v3;
	v4 =	vld [tilespmem:s4+$0x80]  }
0x1aa: {  	v14 =	vld [tilespmem:s8+$0x800];
	[tilespmem:v9+s24+$0x0] =	vst.idx.msk $0xffff, v5  }
0x1ab: {  	s14 =	simm.s32 $0x840;
	v9 =	vor.u32 $0x200, v7;
	v5 =	vld [tilespmem:s6+$0x200]  }
0x1ac: {  	v15 =	vld [tilespmem:s14+$0x0];
	[tilespmem:v12+s24+$0x0] =	vst.idx.msk $0xffff, v11  }
0x1ad: {  	v11 =	vor.u32 $0x100, v2;
	[tilespmem:v10+s24+$0x0] =	vst.idx.msk $0xffff, v6;
	v10 =	vld [tilespmem:s3+$0x100]  }
0x1ae: {  	s13 =	simm.s32 $0x200;
	[tilespmem:v13+s24+$0x0] =	vst.idx.msk $0xffff, v4;
	v12 =	vld [tilespmem:s7+$0x280];
	v13 =	vor.u32 $0x280, v8  }
0x1af: {  	s5 =	sand.u32 $0x3, s5;
	s15 =	sand.u32 $0x3C00, s13  }
0x1b0: {  	s5 =	sshll.u32 s5, $0x5;
	s7 =	sadd.s32 $0x9000, s15;
	v4 =	vshll.u32 v14, $0x3;
	v16 =	vld [tilespmem:s4+$0x100];
	[tilespmem:v9+s24+$0x0] =	vst.idx.msk $0xffff, v5;
	v5 =	vor.u32 $0x100, v3  }
0x1b1: {  	s5 =	sadd.s32 $0x0, s5;
	v17 =	vor.u32 $0x280, v7;
	v14 =	vand.u32 $0x7F, v14;
	s14 =	sor.u32 s18, s7;
	v4 =	vand.u32 $0xFFFFFC00, v4;
	v9 =	vld [tilespmem:s6+$0x280]  }
0x1b2: {  	s17 =	sadd.s32 $0x10, s5;
	v18 =	vld [tilespmem:s14+$0x0];
	v4 =	vor.u32 v14, v4;
	[tilespmem:v11+s24+$0x0] =	vst.idx.msk $0xffff, v10  }
0x1b3: {  	s18 =	sor.u32 $0x300, s17;
	v14 =	vor.u32 $0x180, v2;
	v10 =	vshll.u32 v15, $0x3;
	v11 =	vld [tilespmem:s3+$0x180];
	[tilespmem:v13+s24+$0x0] =	vst.idx.msk $0xffff, v12  }
0x1b4: {  	s15 =	sor.u32 s9, s7;
	v12 =	vand.u32 $0x7F, v15;
	v10 =	vand.u32 $0xFFFFFC00, v10;
	v15 =	vor.u32 $0x300, v8;
	v13 =	vld [tilespmem:s18+$0x9000]  }
0x1b5: {  	s16 =	simm.s32 $0x860;
	[tilespmem:v5+s24+$0x0] =	vst.idx.msk $0xffff, v16;
	v16 =	vld [tilespmem:s15+$0x0];
	v5 =	vor.u32 v12, v10  }
0x1b6: {  	v6 =	vld [tilespmem:s16+$0x0];
	[tilespmem:v17+s24+$0x0] =	vst.idx.msk $0xffff, v9  }
0x1b7: {  	s10 =	sor.u32 $0x300, s5;
	v10 =	vor.u32 $0x180, v3;
	v9 =	vld [tilespmem:s4+$0x180];
	[tilespmem:v4+s24+$0x0] =	vst.idx.msk $0xffff, v18  }
0x1b8: {  	v17 =	vor.u32 $0x300, v7;
	v12 =	vld [tilespmem:s10+$0x9000];
	[tilespmem:v14+s24+$0x0] =	vst.idx.msk $0xffff, v11  }
0x1b9: {  	v18 =	vld [tilespmem:s14+$0x80];
	v11 =	vor.u32 $0x80, v4;
	[tilespmem:v15+s24+$0x0] =	vst.idx.msk $0xffff, v13  }
0x1ba: {  	s18 =	simm.s32 $0x60;
	v14 =	vld [tilespmem:s3+$0x200];
	v13 =	vor.u32 $0x200, v2;
	[tilespmem:v5+s24+$0x0] =	vst.idx.msk $0xffff, v16  }
0x1bb: {  	s16 =	sor.u32 $0x380, s17;
	s6 =	sand.u32 $0x60, s18;
	v19 =	vor.u32 $0x80, v5;
	v15 =	vld [tilespmem:s15+$0x80]  }
0x1bc: {  	v20 =	vor.u32 $0x380, v8;
	s17 =	sand.u32 $0x780, s18;
	s7 =	sor.u32 $0x10, s6;
	v16 =	vld [tilespmem:s16+$0x9000];
	[tilespmem:v10+s24+$0x0] =	vst.idx.msk $0xffff, v9  }
0x1bd: {  	s8 =	sor.u32 s7, s17;
	v10 =	vor.u32 $0x200, v3;
	v9 =	vld [tilespmem:s4+$0x200];
	[tilespmem:v17+s24+$0x0] =	vst.idx.msk $0xffff, v12  }
0x1be: {  	s5 =	sor.u32 $0x380, s5;
	v17 =	vld [tilespmem:s8+$0x800];
	[tilespmem:v11+s24+$0x0] =	vst.idx.msk $0xffff, v18  }
0x1bf: {  	v12 =	vor.u32 $0x380, v7;
	v11 =	vld [tilespmem:s5+$0x9000];
	[tilespmem:v13+s24+$0x0] =	vst.idx.msk $0xffff, v14  }
0x1c0: {  	s17 =	simm.s32 $0x1;
	v13 =	vld [tilespmem:s14+$0x100];
	[tilespmem:v19+s24+$0x0] =	vst.idx.msk $0xffff, v15;
	v15 =	vor.u32 $0x100, v4  }
0x1c1: {  	s9 =	sand.u32 $0x3, s17;
	s16 =	simm.s32 $0x300;
	v7 =	vor.u32 $0x280, v2;
	v8 =	vld [tilespmem:s3+$0x280];
	[tilespmem:v20+s24+$0x0] =	vst.idx.msk $0xffff, v16  }
0x1c2: {  	s9 =	sshll.u32 s9, $0x5;
	s8 =	sand.u32 $0x3C00, s16;
	v16 =	vor.u32 $0x100, v5;
	v14 =	vld [tilespmem:s15+$0x100];
	[tilespmem:v10+s24+$0x0] =	vst.idx.msk $0xffff, v9  }
0x1c3: {  	s10 =	sadd.s32 $0x9000, s8;
	s5 =	simm.s32 $0x880;
	s3 =	simm.s32 $0x6;
	v18 =	vshll.u32 v17, $0x3;
	v10 =	vor.u32 $0x280, v3;
	v9 =	vld [tilespmem:s4+$0x280]  }
.LBB2_14:
0x1c4: {  	v19 =	vld [tilespmem:s5+$0x0];
	s6 =	sor.u32 s6, s10;
	s4 =	sor.u32 s7, s10;
	v17 =	vand.u32 $0x7F, v17;
	v18 =	vand.u32 $0xFFFFFC00, v18;
	s1 =	sadd.s32 s9, s1;
	[tilespmem:v12+s24+$0x0] =	vst.idx.msk $0xffff, v11  }
0x1c5: {  	v11 =	vld [tilespmem:s4+$0x0];
	v12 =	vor.u32 v17, v18;
	[tilespmem:v15+s24+$0x0] =	vst.idx.msk $0xffff, v13;
	s7 =	sor.u32 $0x300, s1;
	s9 =	sor.u32 $0x380, s1;
	s10 =	sadd.s32 $0x10, s1  }
0x1c6: {  	s8 =	smov.u32 s15;
	v13 =	vshll.u32 v6, $0x3;
	v17 =	vor.u32 $0x180, v4;
	s15 =	smov.u32 s6;
	v15 =	vld [tilespmem:s14+$0x180];
	[tilespmem:v7+s24+$0x0] =	vst.idx.msk $0xffff, v8;
	s1 =	sor.u32 $0x300, s10  }
0x1c7: {  	v18 =	vand.u32 $0x7F, v6;
	v7 =	vand.u32 $0xFFFFFC00, v13;
	v13 =	vor.u32 $0x300, v2;
	[tilespmem:v16+s24+$0x0] =	vst.idx.msk $0xffff, v14;
	v8 =	vld [tilespmem:s1+$0x9000];
	s1 =	smov.u32 s13;
	s13 =	smov.u32 s16  }
0x1c8: {  	v7 =	vor.u32 v18, v7;
	v14 =	vld [tilespmem:s15+$0x0];
	[tilespmem:v10+s24+$0x0] =	vst.idx.msk $0xffff, v9  }
0x1c9: {  	v10 =	vor.u32 $0x180, v5;
	v9 =	vld [tilespmem:s8+$0x180];
	v6 =	vmov v19  }
0x1ca: {  	v16 =	vor.u32 $0x300, v3;
	[tilespmem:v12+s24+$0x0] =	vst.idx.msk $0xffff, v11;
	v11 =	vld [tilespmem:s7+$0x9000]  }
0x1cb: {  	v19 =	vor.u32 $0x80, v12;
	v18 =	vld [tilespmem:s4+$0x80];
	[tilespmem:v17+s24+$0x0] =	vst.idx.msk $0xffff, v15  }
0x1cc: {  	s18 =	sadd.s32 $0x20, s18;
	v20 =	vor.u32 $0x200, v4;
	s7 =	sor.u32 $0x380, s10;
	v15 =	vld [tilespmem:s14+$0x200];
	[tilespmem:v13+s24+$0x0] =	vst.idx.msk $0xffff, v8  }
0x1cd: {  	s6 =	sand.u32 $0x60, s18;
	[tilespmem:v7+s24+$0x0] =	vst.idx.msk $0xffff, v14;
	v8 =	vld [tilespmem:s7+$0x9000];
	v14 =	vor.u32 $0x380, v2;
	v2 =	vmov v4;
	v4 =	vmov v12  }
0x1ce: {  	v22 =	vor.u32 $0x80, v7;
	s10 =	sand.u32 $0x780, s18;
	s7 =	sor.u32 $0x10, s6;
	v21 =	vld [tilespmem:s15+$0x80];
	[tilespmem:v10+s24+$0x0] =	vst.idx.msk $0xffff, v9  }
0x1cf: {  	s3 =	sadd.s32 $0x2, s3;
	s10 =	sor.u32 s7, s10;
	v10 =	vor.u32 $0x200, v5;
	v9 =	vld [tilespmem:s8+$0x200];
	[tilespmem:v16+s24+$0x0] =	vst.idx.msk $0xffff, v11  }
0x1d0: {  	p0 =	slt.u32 s3, $0x7E;
	v17 =	vld [tilespmem:s10+$0x800];
	[tilespmem:v19+s24+$0x0] =	vst.idx.msk $0xffff, v18  }
.Ltmp6:
0x1d1: {  	v12 =	vor.u32 $0x380, v3;
	v3 =	vmov v5;
	v5 =	vmov v7;
	[tilespmem:v20+s24+$0x0] =	vst.idx.msk $0xffff, v15;
	v11 =	vld [tilespmem:s9+$0x9000];
	(pc) =	sbr.rel @p0 .LBB2_14-.Ltmp6, $4  }
0x1d2: {  	v15 =	vor.u32 $0x100, v4;
	v13 =	vld [tilespmem:s4+$0x100];
	[tilespmem:v14+s24+$0x0] =	vst.idx.msk $0xffff, v8  }
0x1d3: {  	s17 =	sadd.s32 $0x1, s17;
	s16 =	sadd.s32 $0x100, s16;
	v7 =	vor.u32 $0x280, v2;
	[tilespmem:v22+s24+$0x0] =	vst.idx.msk $0xffff, v21;
	v8 =	vld [tilespmem:s14+$0x280];
	s14 =	smov.u32 s4  }
0x1d4: {  	v16 =	vor.u32 $0x100, v5;
	s9 =	sand.u32 $0x3, s17;
	s4 =	sand.u32 $0x3C00, s16;
	v14 =	vld [tilespmem:s15+$0x100];
	[tilespmem:v10+s24+$0x0] =	vst.idx.msk $0xffff, v9  }
0x1d5: {  	s5 =	sadd.s32 $0x20, s5;
	s9 =	sshll.u32 s9, $0x5;
	s10 =	sadd.s32 $0x9000, s4;
	v10 =	vor.u32 $0x280, v3;
	v18 =	vshll.u32 v17, $0x3;
	v9 =	vld [tilespmem:s8+$0x280]  }
0x1d6: {  	s4 =	sor.u32 s7, s10;
	v17 =	vand.u32 $0x7F, v17;
	v18 =	vand.u32 $0xFFFFFC00, v18;
	v19 =	vshll.u32 v6, $0x3  }
0x1d7: {  	s3 =	sor.u32 s6, s10;
	v6 =	vand.u32 $0x7F, v6;
	v20 =	vld [tilespmem:s4+$0x0];
	v17 =	vor.u32 v17, v18;
	v18 =	vand.u32 $0xFFFFFC00, v19  }
0x1d8: {  	v19 =	vld [tilespmem:s3+$0x0];
	v6 =	vor.u32 v6, v18;
	_ =	sdelay $0x3  }
0x1d9: {  	[tilespmem:v17+s24+$0x0] =	vst.idx.msk $0xffff, v20  }
0x1da: {  	v20 =	vor.u32 $0x80, v17;
	v18 =	vld [tilespmem:s4+$0x80];
	[tilespmem:v6+s24+$0x0] =	vst.idx.msk $0xffff, v19  }
0x1db: {  	v21 =	vor.u32 $0x80, v6;
	v19 =	vld [tilespmem:s3+$0x80];
	_ =	sdelay $0x3  }
0x1dc: {  	[tilespmem:v20+s24+$0x0] =	vst.idx.msk $0xffff, v18  }
0x1dd: {  	v20 =	vor.u32 $0x100, v17;
	v18 =	vld [tilespmem:s4+$0x100];
	[tilespmem:v21+s24+$0x0] =	vst.idx.msk $0xffff, v19  }
0x1de: {  	v61 =	vor.u32 $0x100, v6;
	v19 =	vld [tilespmem:s3+$0x100];
	_ =	sdelay $0x1  }
0x1df: {  	[tilespmem:v15+s24+$0x0] =	vst.idx.msk $0xffff, v13  }
0x1e0: {  	v15 =	vor.u32 $0x180, v4;
	v13 =	vld [tilespmem:s14+$0x180];
	[tilespmem:v16+s24+$0x0] =	vst.idx.msk $0xffff, v14  }
0x1e1: {  	v16 =	vor.u32 $0x180, v5;
	v14 =	vld [tilespmem:s15+$0x180];
	[tilespmem:v20+s24+$0x0] =	vst.idx.msk $0xffff, v18  }
0x1e2: {  	v20 =	vor.u32 $0x180, v17;
	v18 =	vld [tilespmem:s4+$0x180];
	[tilespmem:v61+s24+$0x0] =	vst.idx.msk $0xffff, v19  }
0x1e3: {  	v62 =	vor.u32 $0x180, v6;
	v19 =	vld [tilespmem:s3+$0x180];
	_ =	sdelay $0x1  }
0x1e4: {  	[tilespmem:v15+s24+$0x0] =	vst.idx.msk $0xffff, v13  }
0x1e5: {  	v15 =	vor.u32 $0x200, v4;
	v13 =	vld [tilespmem:s14+$0x200];
	[tilespmem:v16+s24+$0x0] =	vst.idx.msk $0xffff, v14  }
0x1e6: {  	v16 =	vor.u32 $0x200, v5;
	v14 =	vld [tilespmem:s15+$0x200];
	[tilespmem:v20+s24+$0x0] =	vst.idx.msk $0xffff, v18  }
0x1e7: {  	v20 =	vor.u32 $0x200, v17;
	v18 =	vld [tilespmem:s4+$0x200];
	[tilespmem:v62+s24+$0x0] =	vst.idx.msk $0xffff, v19  }
0x1e8: {  	v63 =	vor.u32 $0x200, v6;
	v19 =	vld [tilespmem:s3+$0x200]  }
0x1e9: {  	[tilespmem:v12+s24+$0x0] =	vst.idx.msk $0xffff, v11  }
0x1ea: {  	[tilespmem:v15+s24+$0x0] =	vst.idx.msk $0xffff, v13  }
0x1eb: {  	v12 =	vor.u32 $0x280, v4;
	s5 =	sadd.s32 $0x1, s17;
	v11 =	vld [tilespmem:s14+$0x280];
	[tilespmem:v16+s24+$0x0] =	vst.idx.msk $0xffff, v14  }
0x1ec: {  	s1 =	sadd.s32 s9, s1;
	s8 =	sand.u32 $0x3, s5;
	v14 =	vor.u32 $0x280, v5;
	v13 =	vld [tilespmem:s15+$0x280];
	[tilespmem:v20+s24+$0x0] =	vst.idx.msk $0xffff, v18  }
0x1ed: {  	s7 =	sadd.s32 $0x10, s1;
	s9 =	sadd.s32 $0x1, s5;
	s6 =	sshll.u32 s8, $0x5;
	v16 =	vor.u32 $0x280, v17;
	v15 =	vld [tilespmem:s4+$0x280];
	[tilespmem:v63+s24+$0x0] =	vst.idx.msk $0xffff, v19  }
0x1ee: {  	[tilespmem:v7+s24+$0x0] =	vst.idx.msk $0xffff, v8;
	s10 =	sor.u32 $0x300, s7;
	s6 =	sadd.s32 s6, s13;
	v8 =	vor.u32 $0x280, v6;
	s4 =	sand.u32 $0x3, s9;
	v7 =	vld [tilespmem:s3+$0x280]  }
0x1ef: {  	[tilespmem:v10+s24+$0x0] =	vst.idx.msk $0xffff, v9;
	s14 =	sor.u32 $0x300, s1;
	s15 =	sadd.s32 $0x10, s6;
	v18 =	vld [tilespmem:s10+$0x9000];
	v19 =	vor.u32 $0x300, v2;
	s4 =	sshll.u32 s4, $0x5  }
0x1f0: {  	v10 =	vor.u32 $0x300, v3;
	v9 =	vld [tilespmem:s14+$0x9000];
	s17 =	sor.u32 $0x300, s15;
	[tilespmem:v12+s24+$0x0] =	vst.idx.msk $0xffff, v11;
	s4 =	sadd.s32 s4, s16  }
0x1f1: {  	s8 =	sor.u32 $0x300, s6;
	v12 =	vor.u32 $0x300, v4;
	v11 =	vld [tilespmem:s17+$0x9000];
	[tilespmem:v14+s24+$0x0] =	vst.idx.msk $0xffff, v13;
	s18 =	sadd.s32 $0x10, s4  }
0x1f2: {  	v14 =	vor.u32 $0x300, v5;
	v13 =	vld [tilespmem:s8+$0x9000];
	s9 =	sor.u32 $0x300, s18;
	[tilespmem:v16+s24+$0x0] =	vst.idx.msk $0xffff, v15  }
0x1f3: {  	s10 =	sor.u32 $0x300, s4;
	v16 =	vor.u32 $0x300, v17;
	v15 =	vld [tilespmem:s9+$0x9000];
	[tilespmem:v8+s24+$0x0] =	vst.idx.msk $0xffff, v7  }
0x1f4: {  	s7 =	sor.u32 $0x380, s7;
	[tilespmem:v19+s24+$0x0] =	vst.idx.msk $0xffff, v18;
	v8 =	vor.u32 $0x300, v6;
	v7 =	vld [tilespmem:s10+$0x9000]  }
0x1f5: {  	s1 =	sor.u32 $0x380, s1;
	[tilespmem:v10+s24+$0x0] =	vst.idx.msk $0xffff, v9;
	v2 =	vor.u32 $0x380, v2;
	v18 =	vld [tilespmem:s7+$0x9000]  }
0x1f6: {  	v3 =	vor.u32 $0x380, v3;
	s13 =	sor.u32 $0x380, s15;
	v9 =	vld [tilespmem:s1+$0x9000];
	[tilespmem:v12+s24+$0x0] =	vst.idx.msk $0xffff, v11  }
0x1f7: {  	s14 =	sor.u32 $0x380, s6;
	v4 =	vor.u32 $0x380, v4;
	v10 =	vld [tilespmem:s13+$0x9000];
	[tilespmem:v14+s24+$0x0] =	vst.idx.msk $0xffff, v13  }
0x1f8: {  	v5 =	vor.u32 $0x380, v5;
	v11 =	vld [tilespmem:s14+$0x9000];
	s15 =	sor.u32 $0x380, s18;
	[tilespmem:v16+s24+$0x0] =	vst.idx.msk $0xffff, v15  }
0x1f9: {  	v13 =	vor.u32 $0x380, v17;
	s16 =	sor.u32 $0x380, s4;
	v12 =	vld [tilespmem:s15+$0x9000];
	[tilespmem:v8+s24+$0x0] =	vst.idx.msk $0xffff, v7  }
0x1fa: {  	v6 =	vor.u32 $0x380, v6;
	[tilespmem:v2+s24+$0x0] =	vst.idx.msk $0xffff, v18;
	v2 =	vld [tilespmem:s16+$0x9000]  }
0x1fb: {  	[tilespmem:v3+s24+$0x0] =	vst.idx.msk $0xffff, v9  }
0x1fc: {  	[tilespmem:v4+s24+$0x0] =	vst.idx.msk $0xffff, v10  }
0x1fd: {  	[tilespmem:v5+s24+$0x0] =	vst.idx.msk $0xffff, v11  }
0x1fe: {  	[tilespmem:v13+s24+$0x0] =	vst.idx.msk $0xffff, v12  }
0x1ff: {  	[tilespmem:v6+s24+$0x0] =	vst.idx.msk $0xffff, v2  }
0x200: {  	s5 =	simm.s32 $0x0;
	s17 =	rddreg [dreg:$0xb]  }
0x201: {  	[hbm4b:s17+s5] =	stream.linear.scatter [tilespmem:s24], [sflag:$0x5], $0x4000, $0x38;
	[tilespmem:$0x1A900] =	vst v63  }
0x202: {  	_ =	swait.ge [sflag:s30], $0x4000  }
0x203: {  	[sflag:s30] =	ssyncset.done $0x0  }
0x204: {  	[sflag:s30] =	ssyncadd.s32 $0xFFFFC000  }
0x205: {  	s18 =	sand.u32 $0x60, s5;
	_ =	swait.ge [sflag:s31], $0x4000  }
0x206: {  	s6 =	sor.u32 $0x10, s18;
	s7 =	sand.u32 $0x780, s5;
	[sflag:s31] =	ssyncset.done $0x0  }
0x207: {  	s4 =	sor.u32 s6, s7;
	[sflag:s31] =	ssyncadd.s32 $0xFFFFC000  }
0x208: {  	v2 =	vld [tilespmem:s4+$0x800]  }
0x209: {  	s8 =	simm.s32 $0x800  }
0x20a: {  	v3 =	vld [tilespmem:s8+$0x0];
	_ =	sdelay $0x1  }
0x20b: {  	s9 =	sand.u32 $0x3C00, s5  }
0x20c: {  	s4 =	sadd.s32 $0xD000, s9;
	v4 =	vshll.u32 v2, $0x3  }
0x20d: {  	s7 =	sor.u32 s6, s4;
	v2 =	vand.u32 $0x7F, v2;
	v4 =	vand.u32 $0xFFFFFC00, v4  }
0x20e: {  	v5 =	vld [tilespmem:s7+$0x0];
	v8 =	vor.u32 v2, v4;
	v2 =	vshll.u32 v3, $0x3  }
0x20f: {  	s6 =	sor.u32 s18, s4;
	v3 =	vand.u32 $0x7F, v3;
	v2 =	vand.u32 $0xFFFFFC00, v2  }
0x210: {  	v4 =	vld [tilespmem:s6+$0x0];
	v7 =	vor.u32 v3, v2;
	_ =	sdelay $0x2  }
0x211: {  	[tilespmem:v8+s26+$0x0] =	vst.idx.msk $0xffff, v5  }
0x212: {  	s10 =	simm.s32 $0x20;
	v3 =	vor.u32 $0x80, v8;
	v2 =	vld [tilespmem:s7+$0x80]  }
0x213: {  	s13 =	sand.u32 $0x60, s10;
	[tilespmem:v7+s26+$0x0] =	vst.idx.msk $0xffff, v4  }
0x214: {  	s1 =	sand.u32 $0x780, s10;
	s14 =	sor.u32 $0x10, s13;
	v5 =	vor.u32 $0x80, v7;
	v4 =	vld [tilespmem:s6+$0x80]  }
0x215: {  	s1 =	sor.u32 s14, s1  }
0x216: {  	s15 =	simm.s32 $0x820;
	v6 =	vld [tilespmem:s1+$0x800]  }
0x217: {  	v9 =	vld [tilespmem:s15+$0x0];
	[tilespmem:v3+s26+$0x0] =	vst.idx.msk $0xffff, v2  }
0x218: {  	v10 =	vor.u32 $0x100, v8;
	v3 =	vld [tilespmem:s7+$0x100]  }
0x219: {  	s1 =	simm.s32 $0x100;
	[tilespmem:v5+s26+$0x0] =	vst.idx.msk $0xffff, v4  }
0x21a: {  	s16 =	sand.u32 $0x3C00, s1;
	v5 =	vor.u32 $0x100, v7;
	v4 =	vld [tilespmem:s6+$0x100]  }
0x21b: {  	s8 =	sadd.s32 $0xD000, s16;
	v2 =	vshll.u32 v6, $0x3  }
0x21c: {  	s3 =	sor.u32 s14, s8;
	v6 =	vand.u32 $0x7F, v6;
	v2 =	vand.u32 $0xFFFFFC00, v2  }
0x21d: {  	v11 =	vld [tilespmem:s3+$0x0];
	v2 =	vor.u32 v6, v2;
	[tilespmem:v10+s26+$0x0] =	vst.idx.msk $0xffff, v3;
	v3 =	vshll.u32 v9, $0x3  }
0x21e: {  	s4 =	sor.u32 s13, s8;
	v10 =	vor.u32 $0x180, v8;
	v9 =	vand.u32 $0x7F, v9;
	v6 =	vld [tilespmem:s7+$0x180];
	v3 =	vand.u32 $0xFFFFFC00, v3  }
0x21f: {  	[tilespmem:v5+s26+$0x0] =	vst.idx.msk $0xffff, v4;
	v4 =	vld [tilespmem:s4+$0x0];
	v3 =	vor.u32 v9, v3;
	_ =	sdelay $0x1  }
0x220: {  	v9 =	vor.u32 $0x180, v7;
	v5 =	vld [tilespmem:s6+$0x180]  }
0x221: {  	s17 =	simm.s32 $0x40;
	[tilespmem:v2+s26+$0x0] =	vst.idx.msk $0xffff, v11  }
0x222: {  	s9 =	sand.u32 $0x60, s17;
	v12 =	vor.u32 $0x80, v2;
	v11 =	vld [tilespmem:s3+$0x80];
	[tilespmem:v10+s26+$0x0] =	vst.idx.msk $0xffff, v6  }
0x223: {  	s18 =	sor.u32 $0x10, s9;
	s8 =	sand.u32 $0x780, s17;
	v10 =	vor.u32 $0x200, v8;
	v6 =	vld [tilespmem:s7+$0x200];
	[tilespmem:v3+s26+$0x0] =	vst.idx.msk $0xffff, v4  }
0x224: {  	s8 =	sor.u32 s18, s8;
	v13 =	vor.u32 $0x80, v3;
	v4 =	vld [tilespmem:s4+$0x80]  }
0x225: {  	v14 =	vld [tilespmem:s8+$0x800];
	[tilespmem:v9+s26+$0x0] =	vst.idx.msk $0xffff, v5  }
0x226: {  	s14 =	simm.s32 $0x840;
	v9 =	vor.u32 $0x200, v7;
	v5 =	vld [tilespmem:s6+$0x200]  }
0x227: {  	v15 =	vld [tilespmem:s14+$0x0];
	[tilespmem:v12+s26+$0x0] =	vst.idx.msk $0xffff, v11  }
0x228: {  	v11 =	vor.u32 $0x100, v2;
	[tilespmem:v10+s26+$0x0] =	vst.idx.msk $0xffff, v6;
	v10 =	vld [tilespmem:s3+$0x100]  }
0x229: {  	s13 =	simm.s32 $0x200;
	[tilespmem:v13+s26+$0x0] =	vst.idx.msk $0xffff, v4;
	v12 =	vld [tilespmem:s7+$0x280];
	v13 =	vor.u32 $0x280, v8  }
0x22a: {  	s5 =	sand.u32 $0x3, s5;
	s15 =	sand.u32 $0x3C00, s13  }
0x22b: {  	s5 =	sshll.u32 s5, $0x5;
	s7 =	sadd.s32 $0xD000, s15;
	v4 =	vshll.u32 v14, $0x3;
	v16 =	vld [tilespmem:s4+$0x100];
	[tilespmem:v9+s26+$0x0] =	vst.idx.msk $0xffff, v5;
	v5 =	vor.u32 $0x100, v3  }
0x22c: {  	s5 =	sadd.s32 $0x0, s5;
	v17 =	vor.u32 $0x280, v7;
	v14 =	vand.u32 $0x7F, v14;
	s14 =	sor.u32 s18, s7;
	v4 =	vand.u32 $0xFFFFFC00, v4;
	v9 =	vld [tilespmem:s6+$0x280]  }
0x22d: {  	s17 =	sadd.s32 $0x10, s5;
	v18 =	vld [tilespmem:s14+$0x0];
	v4 =	vor.u32 v14, v4;
	[tilespmem:v11+s26+$0x0] =	vst.idx.msk $0xffff, v10  }
0x22e: {  	s18 =	sor.u32 $0x300, s17;
	v14 =	vor.u32 $0x180, v2;
	v10 =	vshll.u32 v15, $0x3;
	v11 =	vld [tilespmem:s3+$0x180];
	[tilespmem:v13+s26+$0x0] =	vst.idx.msk $0xffff, v12  }
0x22f: {  	s15 =	sor.u32 s9, s7;
	v12 =	vand.u32 $0x7F, v15;
	v10 =	vand.u32 $0xFFFFFC00, v10;
	v15 =	vor.u32 $0x300, v8;
	v13 =	vld [tilespmem:s18+$0xD000]  }
0x230: {  	s16 =	simm.s32 $0x860;
	[tilespmem:v5+s26+$0x0] =	vst.idx.msk $0xffff, v16;
	v16 =	vld [tilespmem:s15+$0x0];
	v5 =	vor.u32 v12, v10  }
0x231: {  	v6 =	vld [tilespmem:s16+$0x0];
	[tilespmem:v17+s26+$0x0] =	vst.idx.msk $0xffff, v9  }
0x232: {  	s10 =	sor.u32 $0x300, s5;
	v10 =	vor.u32 $0x180, v3;
	v9 =	vld [tilespmem:s4+$0x180];
	[tilespmem:v4+s26+$0x0] =	vst.idx.msk $0xffff, v18  }
0x233: {  	v17 =	vor.u32 $0x300, v7;
	v12 =	vld [tilespmem:s10+$0xD000];
	[tilespmem:v14+s26+$0x0] =	vst.idx.msk $0xffff, v11  }
0x234: {  	v18 =	vld [tilespmem:s14+$0x80];
	v11 =	vor.u32 $0x80, v4;
	[tilespmem:v15+s26+$0x0] =	vst.idx.msk $0xffff, v13  }
0x235: {  	s18 =	simm.s32 $0x60;
	v14 =	vld [tilespmem:s3+$0x200];
	v13 =	vor.u32 $0x200, v2;
	[tilespmem:v5+s26+$0x0] =	vst.idx.msk $0xffff, v16  }
0x236: {  	s16 =	sor.u32 $0x380, s17;
	s6 =	sand.u32 $0x60, s18;
	v19 =	vor.u32 $0x80, v5;
	v15 =	vld [tilespmem:s15+$0x80]  }
0x237: {  	v20 =	vor.u32 $0x380, v8;
	s17 =	sand.u32 $0x780, s18;
	s7 =	sor.u32 $0x10, s6;
	v16 =	vld [tilespmem:s16+$0xD000];
	[tilespmem:v10+s26+$0x0] =	vst.idx.msk $0xffff, v9  }
0x238: {  	s8 =	sor.u32 s7, s17;
	v10 =	vor.u32 $0x200, v3;
	v9 =	vld [tilespmem:s4+$0x200];
	[tilespmem:v17+s26+$0x0] =	vst.idx.msk $0xffff, v12  }
0x239: {  	s5 =	sor.u32 $0x380, s5;
	v17 =	vld [tilespmem:s8+$0x800];
	[tilespmem:v11+s26+$0x0] =	vst.idx.msk $0xffff, v18  }
0x23a: {  	v12 =	vor.u32 $0x380, v7;
	v11 =	vld [tilespmem:s5+$0xD000];
	[tilespmem:v13+s26+$0x0] =	vst.idx.msk $0xffff, v14  }
0x23b: {  	s17 =	simm.s32 $0x1;
	v13 =	vld [tilespmem:s14+$0x100];
	[tilespmem:v19+s26+$0x0] =	vst.idx.msk $0xffff, v15;
	v15 =	vor.u32 $0x100, v4  }
0x23c: {  	s9 =	sand.u32 $0x3, s17;
	s16 =	simm.s32 $0x300;
	v7 =	vor.u32 $0x280, v2;
	v8 =	vld [tilespmem:s3+$0x280];
	[tilespmem:v20+s26+$0x0] =	vst.idx.msk $0xffff, v16  }
0x23d: {  	s9 =	sshll.u32 s9, $0x5;
	s8 =	sand.u32 $0x3C00, s16;
	v16 =	vor.u32 $0x100, v5;
	v14 =	vld [tilespmem:s15+$0x100];
	[tilespmem:v10+s26+$0x0] =	vst.idx.msk $0xffff, v9  }
0x23e: {  	s10 =	sadd.s32 $0xD000, s8;
	s5 =	simm.s32 $0x880;
	s3 =	simm.s32 $0x6;
	v18 =	vshll.u32 v17, $0x3;
	v10 =	vor.u32 $0x280, v3;
	v9 =	vld [tilespmem:s4+$0x280]  }
.LBB2_16:
0x23f: {  	v19 =	vld [tilespmem:s5+$0x0];
	s6 =	sor.u32 s6, s10;
	s4 =	sor.u32 s7, s10;
	v17 =	vand.u32 $0x7F, v17;
	v18 =	vand.u32 $0xFFFFFC00, v18;
	s1 =	sadd.s32 s9, s1;
	[tilespmem:v12+s26+$0x0] =	vst.idx.msk $0xffff, v11  }
0x240: {  	v11 =	vld [tilespmem:s4+$0x0];
	v12 =	vor.u32 v17, v18;
	[tilespmem:v15+s26+$0x0] =	vst.idx.msk $0xffff, v13;
	s7 =	sor.u32 $0x300, s1;
	s9 =	sor.u32 $0x380, s1;
	s10 =	sadd.s32 $0x10, s1  }
0x241: {  	s8 =	smov.u32 s15;
	v13 =	vshll.u32 v6, $0x3;
	v17 =	vor.u32 $0x180, v4;
	s15 =	smov.u32 s6;
	v15 =	vld [tilespmem:s14+$0x180];
	[tilespmem:v7+s26+$0x0] =	vst.idx.msk $0xffff, v8;
	s1 =	sor.u32 $0x300, s10  }
0x242: {  	v18 =	vand.u32 $0x7F, v6;
	v7 =	vand.u32 $0xFFFFFC00, v13;
	v13 =	vor.u32 $0x300, v2;
	[tilespmem:v16+s26+$0x0] =	vst.idx.msk $0xffff, v14;
	v8 =	vld [tilespmem:s1+$0xD000];
	s1 =	smov.u32 s13;
	s13 =	smov.u32 s16  }
0x243: {  	v7 =	vor.u32 v18, v7;
	v14 =	vld [tilespmem:s15+$0x0];
	[tilespmem:v10+s26+$0x0] =	vst.idx.msk $0xffff, v9  }
0x244: {  	v10 =	vor.u32 $0x180, v5;
	v9 =	vld [tilespmem:s8+$0x180];
	v6 =	vmov v19  }
0x245: {  	v16 =	vor.u32 $0x300, v3;
	[tilespmem:v12+s26+$0x0] =	vst.idx.msk $0xffff, v11;
	v11 =	vld [tilespmem:s7+$0xD000]  }
0x246: {  	v19 =	vor.u32 $0x80, v12;
	v18 =	vld [tilespmem:s4+$0x80];
	[tilespmem:v17+s26+$0x0] =	vst.idx.msk $0xffff, v15  }
0x247: {  	s18 =	sadd.s32 $0x20, s18;
	v20 =	vor.u32 $0x200, v4;
	s7 =	sor.u32 $0x380, s10;
	v15 =	vld [tilespmem:s14+$0x200];
	[tilespmem:v13+s26+$0x0] =	vst.idx.msk $0xffff, v8  }
0x248: {  	s6 =	sand.u32 $0x60, s18;
	[tilespmem:v7+s26+$0x0] =	vst.idx.msk $0xffff, v14;
	v8 =	vld [tilespmem:s7+$0xD000];
	v14 =	vor.u32 $0x380, v2;
	v2 =	vmov v4;
	v4 =	vmov v12  }
0x249: {  	v22 =	vor.u32 $0x80, v7;
	s10 =	sand.u32 $0x780, s18;
	s7 =	sor.u32 $0x10, s6;
	v21 =	vld [tilespmem:s15+$0x80];
	[tilespmem:v10+s26+$0x0] =	vst.idx.msk $0xffff, v9  }
0x24a: {  	s3 =	sadd.s32 $0x2, s3;
	s10 =	sor.u32 s7, s10;
	v10 =	vor.u32 $0x200, v5;
	v9 =	vld [tilespmem:s8+$0x200];
	[tilespmem:v16+s26+$0x0] =	vst.idx.msk $0xffff, v11  }
0x24b: {  	p0 =	slt.u32 s3, $0x7E;
	v17 =	vld [tilespmem:s10+$0x800];
	[tilespmem:v19+s26+$0x0] =	vst.idx.msk $0xffff, v18  }
.Ltmp7:
0x24c: {  	v12 =	vor.u32 $0x380, v3;
	v3 =	vmov v5;
	v5 =	vmov v7;
	[tilespmem:v20+s26+$0x0] =	vst.idx.msk $0xffff, v15;
	v11 =	vld [tilespmem:s9+$0xD000];
	(pc) =	sbr.rel @p0 .LBB2_16-.Ltmp7, $4  }
0x24d: {  	v15 =	vor.u32 $0x100, v4;
	v13 =	vld [tilespmem:s4+$0x100];
	[tilespmem:v14+s26+$0x0] =	vst.idx.msk $0xffff, v8  }
0x24e: {  	s17 =	sadd.s32 $0x1, s17;
	s16 =	sadd.s32 $0x100, s16;
	v7 =	vor.u32 $0x280, v2;
	[tilespmem:v22+s26+$0x0] =	vst.idx.msk $0xffff, v21;
	v8 =	vld [tilespmem:s14+$0x280];
	s14 =	smov.u32 s4  }
0x24f: {  	v16 =	vor.u32 $0x100, v5;
	s9 =	sand.u32 $0x3, s17;
	s4 =	sand.u32 $0x3C00, s16;
	v14 =	vld [tilespmem:s15+$0x100];
	[tilespmem:v10+s26+$0x0] =	vst.idx.msk $0xffff, v9  }
0x250: {  	s5 =	sadd.s32 $0x20, s5;
	s9 =	sshll.u32 s9, $0x5;
	s10 =	sadd.s32 $0xD000, s4;
	v10 =	vor.u32 $0x280, v3;
	v18 =	vshll.u32 v17, $0x3;
	v9 =	vld [tilespmem:s8+$0x280]  }
0x251: {  	s4 =	sor.u32 s7, s10;
	v17 =	vand.u32 $0x7F, v17;
	v18 =	vand.u32 $0xFFFFFC00, v18;
	v19 =	vshll.u32 v6, $0x3  }
0x252: {  	s3 =	sor.u32 s6, s10;
	v29 =	vand.u32 $0x7F, v6;
	v20 =	vld [tilespmem:s4+$0x0];
	v17 =	vor.u32 v17, v18;
	v30 =	vand.u32 $0xFFFFFC00, v19  }
0x253: {  	v31 =	vld [tilespmem:s3+$0x0];
	v6 =	vor.u32 v29, v30;
	_ =	sdelay $0x3  }
0x254: {  	[tilespmem:v17+s26+$0x0] =	vst.idx.msk $0xffff, v20  }
0x255: {  	v33 =	vor.u32 $0x80, v17;
	v32 =	vld [tilespmem:s4+$0x80];
	[tilespmem:v6+s26+$0x0] =	vst.idx.msk $0xffff, v31  }
0x256: {  	v21 =	vor.u32 $0x80, v6;
	v19 =	vld [tilespmem:s3+$0x80];
	_ =	sdelay $0x3  }
0x257: {  	[tilespmem:v33+s26+$0x0] =	vst.idx.msk $0xffff, v32  }
0x258: {  	v34 =	vor.u32 $0x100, v17;
	v18 =	vld [tilespmem:s4+$0x100];
	[tilespmem:v21+s26+$0x0] =	vst.idx.msk $0xffff, v19  }
0x259: {  	v35 =	vor.u32 $0x100, v6;
	v19 =	vld [tilespmem:s3+$0x100];
	_ =	sdelay $0x1  }
0x25a: {  	[tilespmem:v15+s26+$0x0] =	vst.idx.msk $0xffff, v13  }
0x25b: {  	v36 =	vor.u32 $0x180, v4;
	v13 =	vld [tilespmem:s14+$0x180];
	[tilespmem:v16+s26+$0x0] =	vst.idx.msk $0xffff, v14  }
0x25c: {  	v37 =	vor.u32 $0x180, v5;
	v14 =	vld [tilespmem:s15+$0x180];
	[tilespmem:v34+s26+$0x0] =	vst.idx.msk $0xffff, v18  }
0x25d: {  	v38 =	vor.u32 $0x180, v17;
	v18 =	vld [tilespmem:s4+$0x180];
	[tilespmem:v35+s26+$0x0] =	vst.idx.msk $0xffff, v19  }
0x25e: {  	v39 =	vor.u32 $0x180, v6;
	v19 =	vld [tilespmem:s3+$0x180];
	_ =	sdelay $0x1  }
0x25f: {  	[tilespmem:v36+s26+$0x0] =	vst.idx.msk $0xffff, v13  }
0x260: {  	v40 =	vor.u32 $0x200, v4;
	v13 =	vld [tilespmem:s14+$0x200];
	[tilespmem:v37+s26+$0x0] =	vst.idx.msk $0xffff, v14  }
0x261: {  	v41 =	vor.u32 $0x200, v5;
	v14 =	vld [tilespmem:s15+$0x200];
	[tilespmem:v38+s26+$0x0] =	vst.idx.msk $0xffff, v18  }
0x262: {  	v42 =	vor.u32 $0x200, v17;
	v18 =	vld [tilespmem:s4+$0x200];
	[tilespmem:v39+s26+$0x0] =	vst.idx.msk $0xffff, v19  }
0x263: {  	v43 =	vor.u32 $0x200, v6;
	v19 =	vld [tilespmem:s3+$0x200]  }
0x264: {  	[tilespmem:v12+s26+$0x0] =	vst.idx.msk $0xffff, v11  }
0x265: {  	[tilespmem:v40+s26+$0x0] =	vst.idx.msk $0xffff, v13  }
0x266: {  	v45 =	vor.u32 $0x280, v4;
	s5 =	sadd.s32 $0x1, s17;
	v44 =	vld [tilespmem:s14+$0x280];
	[tilespmem:v41+s26+$0x0] =	vst.idx.msk $0xffff, v14  }
0x267: {  	s1 =	sadd.s32 s9, s1;
	v47 =	vor.u32 $0x280, v5;
	s10 =	sand.u32 $0x3, s5;
	v46 =	vld [tilespmem:s15+$0x280];
	[tilespmem:v42+s26+$0x0] =	vst.idx.msk $0xffff, v18  }
0x268: {  	s7 =	sadd.s32 $0x10, s1;
	s6 =	sshll.u32 s10, $0x5;
	v49 =	vor.u32 $0x280, v17;
	s14 =	sadd.s32 $0x1, s5;
	v48 =	vld [tilespmem:s4+$0x280];
	[tilespmem:v43+s26+$0x0] =	vst.idx.msk $0xffff, v19  }
0x269: {  	[tilespmem:v7+s26+$0x0] =	vst.idx.msk $0xffff, v8;
	s6 =	sadd.s32 s6, s13;
	v51 =	vor.u32 $0x280, v6;
	s15 =	sor.u32 $0x300, s7;
	s4 =	sand.u32 $0x3, s14;
	v50 =	vld [tilespmem:s3+$0x280]  }
0x26a: {  	v53 =	vor.u32 $0x300, v2;
	s17 =	sor.u32 $0x300, s1;
	[tilespmem:v10+s26+$0x0] =	vst.idx.msk $0xffff, v9;
	s18 =	sadd.s32 $0x10, s6;
	v52 =	vld [tilespmem:s15+$0xD000];
	s4 =	sshll.u32 s4, $0x5  }
0x26b: {  	v54 =	vor.u32 $0x300, v3;
	v10 =	vld [tilespmem:s17+$0xD000];
	s9 =	sor.u32 $0x300, s18;
	[tilespmem:v45+s26+$0x0] =	vst.idx.msk $0xffff, v44;
	s4 =	sadd.s32 s4, s16  }
0x26c: {  	v55 =	vor.u32 $0x300, v4;
	s8 =	sor.u32 $0x300, s6;
	v12 =	vld [tilespmem:s9+$0xD000];
	[tilespmem:v47+s26+$0x0] =	vst.idx.msk $0xffff, v46;
	s10 =	sadd.s32 $0x10, s4  }
0x26d: {  	v56 =	vor.u32 $0x300, v5;
	v14 =	vld [tilespmem:s8+$0xD000];
	s13 =	sor.u32 $0x300, s10;
	[tilespmem:v49+s26+$0x0] =	vst.idx.msk $0xffff, v48  }
0x26e: {  	v57 =	vor.u32 $0x300, v17;
	s14 =	sor.u32 $0x300, s4;
	v16 =	vld [tilespmem:s13+$0xD000];
	[tilespmem:v51+s26+$0x0] =	vst.idx.msk $0xffff, v50  }
0x26f: {  	v58 =	vor.u32 $0x300, v6;
	s7 =	sor.u32 $0x380, s7;
	[tilespmem:v53+s26+$0x0] =	vst.idx.msk $0xffff, v52;
	v8 =	vld [tilespmem:s14+$0xD000]  }
0x270: {  	v2 =	vor.u32 $0x380, v2;
	s1 =	sor.u32 $0x380, s1;
	[tilespmem:v54+s26+$0x0] =	vst.idx.msk $0xffff, v10;
	v18 =	vld [tilespmem:s7+$0xD000]  }
0x271: {  	v3 =	vor.u32 $0x380, v3;
	v10 =	vld [tilespmem:s1+$0xD000];
	s15 =	sor.u32 $0x380, s18;
	[tilespmem:v55+s26+$0x0] =	vst.idx.msk $0xffff, v12  }
0x272: {  	v60 =	vor.u32 $0x380, v4;
	v59 =	vld [tilespmem:s15+$0xD000];
	[tilespmem:v56+s26+$0x0] =	vst.idx.msk $0xffff, v14;
	s16 =	sor.u32 $0x380, s6  }
0x273: {  	v62 =	vor.u32 $0x380, v5;
	v61 =	vld [tilespmem:s16+$0xD000];
	s17 =	sor.u32 $0x380, s10;
	[tilespmem:v57+s26+$0x0] =	vst.idx.msk $0xffff, v16  }
0x274: {  	v63 =	vor.u32 $0x380, v17;
	s18 =	sor.u32 $0x380, s4;
	v7 =	vld [tilespmem:s17+$0xD000];
	[tilespmem:v58+s26+$0x0] =	vst.idx.msk $0xffff, v8  }
0x275: {  	v6 =	vor.u32 $0x380, v6;
	[tilespmem:v2+s26+$0x0] =	vst.idx.msk $0xffff, v18;
	v2 =	vld [tilespmem:s18+$0xD000]  }
0x276: {  	[tilespmem:v3+s26+$0x0] =	vst.idx.msk $0xffff, v10  }
0x277: {  	[tilespmem:v60+s26+$0x0] =	vst.idx.msk $0xffff, v59  }
0x278: {  	[tilespmem:v62+s26+$0x0] =	vst.idx.msk $0xffff, v61  }
0x279: {  	[tilespmem:v63+s26+$0x0] =	vst.idx.msk $0xffff, v7  }
0x27a: {  	s0 =	sadd.s32 $0x1, s0;
	[tilespmem:v6+s26+$0x0] =	vst.idx.msk $0xffff, v2  }
0x27b: {  	[hbm4b:s11+s2] =	stream.linear.scatter [tilespmem:s26], [sflag:$0x6], $0x4000, $0x38;
	[tilespmem:$0x1A900] =	vst v63  }
0x27c: {  	p0 =	sne.s32 s0, s12;
	_ =	swait.ge [sflag:s29], $0x4000  }
.Ltmp8:
0x27d: {  	[sflag:s29] =	ssyncset.done $0x0;
	(pc) =	sbr.rel @p0 .LBB2_1-.Ltmp8, $4  }
0x27e: {  	[sflag:s29] =	ssyncadd.s32 $0xFFFFC000  }
0x27f: {  	_ =	swait.ge [sflag:s31], $0x4000  }
0x280: {  	[sflag:s31] =	ssyncset.done $0x0  }
0x281: {  	[sflag:s31] =	ssyncadd.s32 $0xFFFFC000  }
0x282: {  	_ =	sfence.sel $0x180000  }
0x283: {  	[bflag:$0x0] =	sbarrier.arrive $0xFFFF  }
0x284: {  	_ =	strace $0x90000047  }
0x285: {  	s0 =	stileid.u32;
	[bflag:$0x2] =	sbarrier.arrive $0xFFFF  }
0x286: {  	p0 =	sne.s32 s0, $0x0;
	s0 =	rddreg [dreg:$0x3]  }
0x287: {  	s0 =	sadd.s32 @!p0 $0x100000, s0  }
0x288: {  	[sflag:s0] =	ssyncadd.tile.s32 @!p0 $0x1;
	_ =	shalt  }
.Lfunc_end2:
_tile_overlayer_lowered:
.L_overlay_start_2:
0x289: {  	(tag) =	ssettag $0x2  }
0x28a: {  	s0 =	rddreg [dreg:$0x0];
	s2 =	stileid.u32  }
0x28b: {  	s1 =	rddreg [dreg:$0x1];
	p0 =	sne.s32 s2, $0x0  }
0x28c: {  	s3 =	rddreg [dreg:$0x2];
	[bflag:$0x3] =	sbarrier.arrive $0xFFFF;
	s2 =	simm.s32 @!p0 $0x1C07  }
0x28d: {  	[timem:s3], [sflag:s2] =	dma.local @!p0 [hbm:s0], s1  }
0x28e: {  	s0 =	simm.s32 @!p0 $0x7  }
0x28f: {  	_ =	swait.ge @!p0 [sflag:s0], s1  }
0x290: {  	s1 =	ssub.s32 @!p0 $0x0, s1;
	[sflag:s0] =	ssyncset.done @!p0 $0x0  }
0x291: {  	[sflag:s0] =	ssyncadd.s32 @!p0 s1  }
0x292: {  	[bflag:$0x3] =	sbarrier.arrive $0xFFFF  }
0x293: {  	_ =	shalt  }

</sc_bundles>
